<compile_context>
chip_gen: v7x
topology: tpu7x:2x2x1
jax: 0.10.2.dev20260603
libtpu: 0.0.44.dev20260713+nightly
codegen_flags: <defaults>
</compile_context>

<pallas_src>
import functools

import jax
import jax.numpy as jnp
from jax import lax
from jax.experimental import pallas as pl
from jax.experimental.pallas import tpu as pltpu
from jax.experimental.pallas import tpu_sc as plsc

BATCH = 16384
NF = 16
NV = 1000000
BLK = 65536
NBLK = (NV + BLK - 1) // BLK
SEG = NF * BLK
FLAT = NBLK * SEG
NC = 2
NS = 16
L = 16
NW = NC * NS
BPW = BATCH // NW
Y_LO = 0.0
Y_HI = 10.1


def _detile_body(u_ref, b_ref, uo_ref, bo_ref):
    for k in range(NF):
        uo_ref[pl.ds(k * BLK, BLK)] = u_ref[k, :]
        bo_ref[pl.ds(k * BLK, BLK)] = b_ref[k, :]


_detile = pl.pallas_call(
    _detile_body,
    grid=(NBLK,),
    in_specs=[
        pl.BlockSpec((NF, BLK), lambda i: (0, i)),
        pl.BlockSpec((NF, BLK), lambda i: (0, i)),
    ],
    out_specs=[
        pl.BlockSpec((SEG,), lambda i: (i,)),
        pl.BlockSpec((SEG,), lambda i: (i,)),
    ],
    out_shape=[
        jax.ShapeDtypeStruct((FLAT,), jnp.float32),
        jax.ShapeDtypeStruct((FLAT,), jnp.float32),
    ],
)

_mesh = plsc.VectorSubcoreMesh(core_axis_name="c", subcore_axis_name="s")


@functools.partial(
    pl.kernel,
    out_type=jax.ShapeDtypeStruct((BATCH,), jnp.float32),
    mesh=_mesh,
    scratch_types=[
        pltpu.VMEM((BPW,), jnp.int32),
        pltpu.VMEM((BPW,), jnp.int32),
        pltpu.VMEM((NF, BPW), jnp.int32),
        pltpu.VMEM((NF, BPW), jnp.int32),
        pltpu.VMEM((NF, BPW), jnp.float32),
        pltpu.VMEM((NF, BPW), jnp.float32),
        pltpu.VMEM((BPW,), jnp.float32),
        pltpu.VMEM((BPW,), jnp.float32),
        pltpu.VMEM((BPW,), jnp.float32),
        pltpu.SemaphoreType.DMA,
    ],
    compiler_params=pltpu.CompilerParams(
        needs_layout_passes=False, use_tc_tiling_on_sc=False),
)
def _sc_dot(uidx_hbm, bidx_hbm, uflat_hbm, bflat_hbm, ub_hbm, bb_hbm, out_hbm,
            uidx_v, bidx_v, ufi_v, bfi_v, urows_v, brows_v,
            ubias_v, bbias_v, out_v, sem):
    wid = lax.axis_index("s") * NC + lax.axis_index("c")
    base = pl.multiple_of(wid * BPW, BPW)

    pltpu.sync_copy(uidx_hbm.at[pl.ds(base, BPW)], uidx_v)
    pltpu.sync_copy(bidx_hbm.at[pl.ds(base, BPW)], bidx_v)

    def mkidx(g, carry):
        off = pl.multiple_of(g * L, L)
        ur = uidx_v[pl.ds(off, L)]
        br = bidx_v[pl.ds(off, L)]
        ubase = ((ur >> 16) << 20) + (ur & (BLK - 1))
        bbase = ((br >> 16) << 20) + (br & (BLK - 1))
        for k in range(NF):
            ufi_v[k, pl.ds(off, L)] = ubase + (k * BLK)
            bfi_v[k, pl.ds(off, L)] = bbase + (k * BLK)
        return carry

    lax.fori_loop(0, BPW // L, mkidx, 0)

    copies = [
        pltpu.async_copy(ub_hbm.at[uidx_v], ubias_v, sem),
        pltpu.async_copy(bb_hbm.at[bidx_v], bbias_v, sem),
    ]
    for k in range(NF):
        copies.append(
            pltpu.async_copy(uflat_hbm.at[ufi_v.at[k]], urows_v.at[k], sem))
        copies.append(
            pltpu.async_copy(bflat_hbm.at[bfi_v.at[k]], brows_v.at[k], sem))
    for cp in copies:
        cp.wait()

    def group(g, carry):
        off = pl.multiple_of(g * L, L)
        acc = ubias_v[pl.ds(off, L)] + bbias_v[pl.ds(off, L)]
        for k in range(NF):
            acc = acc + urows_v[k, pl.ds(off, L)] * brows_v[k, pl.ds(off, L)]
        out_v[pl.ds(off, L)] = (Y_HI - Y_LO) / (1.0 + jnp.exp(-acc)) + Y_LO
        return carry

    lax.fori_loop(0, BPW // L, group, 0)

    pltpu.sync_copy(out_v, out_hbm.at[pl.ds(base, BPW)])


def kernel(x, users_factors, books_factors, users_bias, books_bias):
    uidx = x[:, 0]
    bidx = x[:, 1]
    uflat, bflat = _detile(users_factors.T, books_factors.T)
    out = _sc_dot(uidx, bidx, uflat, bflat,
                  users_bias.reshape(-1), books_bias.reshape(-1))
    return out.reshape(BATCH, 1)

# --- scband reference (transcript-rebuilt; emitter-appended) ---
"""Pipeline reference for scband-dot-product-29394756173951 (READ-ONLY COPY).

The authoritative reference and input builder live on the scoring server;
editing this copy changes nothing except your own understanding.
"""

import jax, jax.numpy as jnp
import numpy as np

N_USERS = 1000000
N_BOOKS = 1000000
N_FACTORS = 16
BATCH = 16384
Y_LO = 0.0
Y_HI = 10.1


def setup_inputs(seed: int = 0) -> dict:
    key = jax.random.key(seed)
    k_x, k_uf, k_bf, k_ub, k_bb = jax.random.split(key, 5)
    x = jax.random.randint(k_x, (BATCH, 2), 0, N_USERS, dtype=jnp.int64 if jax.config.jax_enable_x64 else jnp.int32).astype(jnp.int32)
    users_factors = jax.random.normal(k_uf, (N_USERS, N_FACTORS), dtype=jnp.float32) * 0.01
    books_factors = jax.random.normal(k_bf, (N_BOOKS, N_FACTORS), dtype=jnp.float32) * 0.01
    users_bias = jax.random.normal(k_ub, (N_USERS, 1), dtype=jnp.float32) * 0.01
    books_bias = jax.random.normal(k_bb, (N_BOOKS, 1), dtype=jnp.float32) * 0.01
    return {
        "x": x,
        "users_factors": users_factors,
        "books_factors": books_factors,
        "users_bias": users_bias,
        "books_bias": books_bias,
    }


def sigmoid_range(x, lo, hi):
    return jax.nn.sigmoid(x) * (hi - lo) + lo


def reference(x, users_factors, books_factors, users_bias, books_bias):
    user_idx = x[:, 0]
    book_idx = x[:, 1]
    users = jnp.take(users_factors, user_idx, axis=0)
    books = jnp.take(books_factors, book_idx, axis=0)
    res = jnp.sum(users * books, axis=1, keepdims=True)
    res = res + jnp.take(users_bias, user_idx, axis=0) + jnp.take(books_bias, book_idx, axis=0)
    return sigmoid_range(res, Y_LO, Y_HI)

if __name__ == "__main__":
    import jax
    _d = setup_inputs()
    print(jax.jit(kernel)(*tuple(_d.values())))

</pallas_src>

<mosaic_0001>
#map = affine_map<(d0, d1) -> (0)>
module attributes {stable_mosaic.version = 14 : i64} {
  func.func @_sc_dot(%arg0: i32, %arg1: i32, %arg2: memref<16384xi32, #tpu.memory_space<hbm>>, %arg3: memref<16384xi32, #tpu.memory_space<hbm>>, %arg4: memref<16777216xf32, #tpu.memory_space<hbm>>, %arg5: memref<16777216xf32, #tpu.memory_space<hbm>>, %arg6: memref<1000000xf32, #tpu.memory_space<hbm>>, %arg7: memref<1000000xf32, #tpu.memory_space<hbm>>, %arg8: memref<16384xf32, #tpu.memory_space<hbm>>, %arg9: memref<512xi32, #tpu.memory_space<vmem>>, %arg10: memref<512xi32, #tpu.memory_space<vmem>>, %arg11: memref<16x512xi32, #tpu.memory_space<vmem>>, %arg12: memref<16x512xi32, #tpu.memory_space<vmem>>, %arg13: memref<16x512xf32, #tpu.memory_space<vmem>>, %arg14: memref<16x512xf32, #tpu.memory_space<vmem>>, %arg15: memref<512xf32, #tpu.memory_space<vmem>>, %arg16: memref<512xf32, #tpu.memory_space<vmem>>, %arg17: memref<512xf32, #tpu.memory_space<vmem>>, %arg18: memref<!tpu.dma_semaphore, #tpu.memory_space<semaphore_mem>>) attributes {dimension_semantics = [#tpu.dimension_semantics<core_parallel>, #tpu.dimension_semantics<subcore_parallel>], iteration_bounds = array<i64: 2, 16>, scalar_prefetch = 0 : i64, scratch_operands = 10 : i64, tpu.core_type = #tpu.core_type<sc_vector_subcore>, window_params = [{transform_indices = #map}, {transform_indices = #map}, {transform_indices = #map}, {transform_indices = #map}, {transform_indices = #map}, {transform_indices = #map}, {transform_indices = #map}]} {
    %mul3A = arith.constant 2 : i32
    %mul3A_0 = arith.muli %arg1, %mul3A : i32
    %add3A = arith.addi %mul3A_0, %arg0 : i32
    %mul3A_1 = arith.constant 512 : i32
    %mul3A_2 = arith.muli %add3A, %mul3A_1 : i32
    %multiple_of3A = tpu.assume_multiple %mul3A_2, 512 : i32
    "tpu.region"() ({
      %run_scoped3A = tpu.sem_alloc : memref<!tpu.dma_semaphore, #tpu.memory_space<semaphore_mem>>
      %dma_start3A_660 = tpu.memref_slice %arg2[%multiple_of3A] : memref<16384xi32, #tpu.memory_space<hbm>> -> memref<512xi32, #tpu.memory_space<hbm>>
      %dma_start3A_661 = tpu.memref_slice %arg2[%multiple_of3A] : memref<16384xi32, #tpu.memory_space<hbm>> -> memref<512xi32, #tpu.memory_space<hbm>>
      tpu.enqueue_dma source(%dma_start3A_661 : memref<512xi32, #tpu.memory_space<hbm>>) target(%arg9 : memref<512xi32, #tpu.memory_space<vmem>>) target_semaphore(%run_scoped3A : memref<!tpu.dma_semaphore, #tpu.memory_space<semaphore_mem>>)
      %dma_wait3A_662 = tpu.memref_slice %arg2[%multiple_of3A] : memref<16384xi32, #tpu.memory_space<hbm>> -> memref<512xi32, #tpu.memory_space<hbm>>
      %dma_wait3A_663 = tpu.memref_slice %arg2[%multiple_of3A] : memref<16384xi32, #tpu.memory_space<hbm>> -> memref<512xi32, #tpu.memory_space<hbm>>
      tpu.wait_dma2 semaphore(%run_scoped3A : memref<!tpu.dma_semaphore, #tpu.memory_space<semaphore_mem>>) src(%dma_wait3A_663 : memref<512xi32, #tpu.memory_space<hbm>>) dst(%arg9 : memref<512xi32, #tpu.memory_space<vmem>>)
      tpu.yield
    }) : () -> ()
    "tpu.region"() ({
      %run_scoped3A = tpu.sem_alloc : memref<!tpu.dma_semaphore, #tpu.memory_space<semaphore_mem>>
      %dma_start3A_660 = tpu.memref_slice %arg3[%multiple_of3A] : memref<16384xi32, #tpu.memory_space<hbm>> -> memref<512xi32, #tpu.memory_space<hbm>>
      %dma_start3A_661 = tpu.memref_slice %arg3[%multiple_of3A] : memref<16384xi32, #tpu.memory_space<hbm>> -> memref<512xi32, #tpu.memory_space<hbm>>
      tpu.enqueue_dma source(%dma_start3A_661 : memref<512xi32, #tpu.memory_space<hbm>>) target(%arg10 : memref<512xi32, #tpu.memory_space<vmem>>) target_semaphore(%run_scoped3A : memref<!tpu.dma_semaphore, #tpu.memory_space<semaphore_mem>>)
      %dma_wait3A_662 = tpu.memref_slice %arg3[%multiple_of3A] : memref<16384xi32, #tpu.memory_space<hbm>> -> memref<512xi32, #tpu.memory_space<hbm>>
      %dma_wait3A_663 = tpu.memref_slice %arg3[%multiple_of3A] : memref<16384xi32, #tpu.memory_space<hbm>> -> memref<512xi32, #tpu.memory_space<hbm>>
      tpu.wait_dma2 semaphore(%run_scoped3A : memref<!tpu.dma_semaphore, #tpu.memory_space<semaphore_mem>>) src(%dma_wait3A_663 : memref<512xi32, #tpu.memory_space<hbm>>) dst(%arg10 : memref<512xi32, #tpu.memory_space<vmem>>)
      tpu.yield
    }) : () -> ()
    %scan3A = arith.constant 0 : i32
    %scan3A_3 = arith.constant 0 : i32
    %scan3A_4 = arith.constant 32 : i32
    %scan3A_5 = arith.addi %scan3A_3, %scan3A_4 : i32
    %scan3A_6 = arith.constant 1 : i32
    scf.for %scan3A_660 = %scan3A_3 to %scan3A_5 step %scan3A_6  : i32 {
      %mul3A_661 = arith.constant 16 : i32
      %mul3A_662 = arith.muli %scan3A_660, %mul3A_661 : i32
      %multiple_of3A_663 = tpu.assume_multiple %mul3A_662, 16 : i32
      %get3A = arith.index_cast %multiple_of3A_663 : i32 to index
      %get3A_664 = tpu.vector_load %arg9[%get3A] {strides = array<i32>} : memref<512xi32, #tpu.memory_space<vmem>>, vector<16xi32>,
      %get3A_665 = arith.index_cast %multiple_of3A_663 : i32 to index
      %get3A_666 = tpu.vector_load %arg10[%get3A_665] {strides = array<i32>} : memref<512xi32, #tpu.memory_space<vmem>>, vector<16xi32>,
      %shift_right_arithmetic3A = arith.constant 16 : i32
      %shift_right_arithmetic3A_667 = vector.broadcast %shift_right_arithmetic3A : i32 to vector<16xi32>
      %shift_right_arithmetic3A_668 = arith.shrsi %get3A_664, %shift_right_arithmetic3A_667 : vector<16xi32>
      %shift_left3A = arith.constant 20 : i32
      %shift_left3A_669 = vector.broadcast %shift_left3A : i32 to vector<16xi32>
      %shift_left3A_670 = arith.shli %shift_right_arithmetic3A_668, %shift_left3A_669 : vector<16xi32>
      %and3A = arith.constant 65535 : i32
      %and3A_671 = vector.broadcast %and3A : i32 to vector<16xi32>
      %and3A_672 = arith.andi %get3A_664, %and3A_671 : vector<16xi32>
      %add3A_673 = arith.addi %shift_left3A_670, %and3A_672 : vector<16xi32>
      %shift_right_arithmetic3A_674 = arith.constant 16 : i32
      %shift_right_arithmetic3A_675 = vector.broadcast %shift_right_arithmetic3A_674 : i32 to vector<16xi32>
      %shift_right_arithmetic3A_676 = arith.shrsi %get3A_666, %shift_right_arithmetic3A_675 : vector<16xi32>
      %shift_left3A_677 = arith.constant 20 : i32
      %shift_left3A_678 = vector.broadcast %shift_left3A_677 : i32 to vector<16xi32>
      %shift_left3A_679 = arith.shli %shift_right_arithmetic3A_676, %shift_left3A_678 : vector<16xi32>
      %and3A_680 = arith.constant 65535 : i32
      %and3A_681 = vector.broadcast %and3A_680 : i32 to vector<16xi32>
      %and3A_682 = arith.andi %get3A_666, %and3A_681 : vector<16xi32>
      %add3A_683 = arith.addi %shift_left3A_679, %and3A_682 : vector<16xi32>
      %add3A_684 = arith.constant 0 : i32
      %add3A_685 = vector.broadcast %add3A_684 : i32 to vector<16xi32>
      %add3A_686 = arith.addi %add3A_673, %add3A_685 : vector<16xi32>
      %swap3A = arith.constant 0 : i32
      %swap3A_687 = arith.index_cast %swap3A : i32 to index
      %swap3A_688 = arith.index_cast %multiple_of3A_663 : i32 to index
      %swap3A_689 = tpu.vector_load %arg11[%swap3A_687, %swap3A_688] {strides = array<i32>} : memref<16x512xi32, #tpu.memory_space<vmem>>, vector<16xi32>,
      tpu.vector_store %arg11[%swap3A_687, %swap3A_688], %add3A_686 {strides = array<i32>} : memref<16x512xi32, #tpu.memory_space<vmem>>, vector<16xi32>,
      %add3A_690 = arith.constant 0 : i32
      %add3A_691 = vector.broadcast %add3A_690 : i32 to vector<16xi32>
      %add3A_692 = arith.addi %add3A_683, %add3A_691 : vector<16xi32>
      %swap3A_693 = arith.constant 0 : i32
      %swap3A_694 = arith.index_cast %swap3A_693 : i32 to index
      %swap3A_695 = arith.index_cast %multiple_of3A_663 : i32 to index
      %swap3A_696 = tpu.vector_load %arg12[%swap3A_694, %swap3A_695] {strides = array<i32>} : memref<16x512xi32, #tpu.memory_space<vmem>>, vector<16xi32>,
      tpu.vector_store %arg12[%swap3A_694, %swap3A_695], %add3A_692 {strides = array<i32>} : memref<16x512xi32, #tpu.memory_space<vmem>>, vector<16xi32>,
      %add3A_697 = arith.constant 65536 : i32
      %add3A_698 = vector.broadcast %add3A_697 : i32 to vector<16xi32>
      %add3A_699 = arith.addi %add3A_673, %add3A_698 : vector<16xi32>
      %swap3A_700 = arith.constant 1 : i32
      %swap3A_701 = arith.index_cast %swap3A_700 : i32 to index
      %swap3A_702 = arith.index_cast %multiple_of3A_663 : i32 to index
      %swap3A_703 = tpu.vector_load %arg11[%swap3A_701, %swap3A_702] {strides = array<i32>} : memref<16x512xi32, #tpu.memory_space<vmem>>, vector<16xi32>,
      tpu.vector_store %arg11[%swap3A_701, %swap3A_702], %add3A_699 {strides = array<i32>} : memref<16x512xi32, #tpu.memory_space<vmem>>, vector<16xi32>,
      %add3A_704 = arith.constant 65536 : i32
      %add3A_705 = vector.broadcast %add3A_704 : i32 to vector<16xi32>
      %add3A_706 = arith.addi %add3A_683, %add3A_705 : vector<16xi32>
      %swap3A_707 = arith.constant 1 : i32
      %swap3A_708 = arith.index_cast %swap3A_707 : i32 to index
      %swap3A_709 = arith.index_cast %multiple_of3A_663 : i32 to index
      %swap3A_710 = tpu.vector_load %arg12[%swap3A_708, %swap3A_709] {strides = array<i32>} : memref<16x512xi32, #tpu.memory_space<vmem>>, vector<16xi32>,
      tpu.vector_store %arg12[%swap3A_708, %swap3A_709], %add3A_706 {strides = array<i32>} : memref<16x512xi32, #tpu.memory_space<vmem>>, vector<16xi32>,
      %add3A_711 = arith.constant 131072 : i32
      %add3A_712 = vector.broadcast %add3A_711 : i32 to vector<16xi32>
      %add3A_713 = arith.addi %add3A_673, %add3A_712 : vector<16xi32>
      %swap3A_714 = arith.constant 2 : i32
      %swap3A_715 = arith.index_cast %swap3A_714 : i32 to index
      %swap3A_716 = arith.index_cast %multiple_of3A_663 : i32 to index
      %swap3A_717 = tpu.vector_load %arg11[%swap3A_715, %swap3A_716] {strides = array<i32>} : memref<16x512xi32, #tpu.memory_space<vmem>>, vector<16xi32>,
      tpu.vector_store %arg11[%swap3A_715, %swap3A_716], %add3A_713 {strides = array<i32>} : memref<16x512xi32, #tpu.memory_space<vmem>>, vector<16xi32>,
      %add3A_718 = arith.constant 131072 : i32
      %add3A_719 = vector.broadcast %add3A_718 : i32 to vector<16xi32>
      %add3A_720 = arith.addi %add3A_683, %add3A_719 : vector<16xi32>
      %swap3A_721 = arith.constant 2 : i32
      %swap3A_722 = arith.index_cast %swap3A_721 : i32 to index
      %swap3A_723 = arith.index_cast %multiple_of3A_663 : i32 to index
      %swap3A_724 = tpu.vector_load %arg12[%swap3A_722, %swap3A_723] {strides = array<i32>} : memref<16x512xi32, #tpu.memory_space<vmem>>, vector<16xi32>,
      tpu.vector_store %arg12[%swap3A_722, %swap3A_723], %add3A_720 {strides = array<i32>} : memref<16x512xi32, #tpu.memory_space<vmem>>, vector<16xi32>,
      %add3A_725 = arith.constant 196608 : i32
      %add3A_726 = vector.broadcast %add3A_725 : i32 to vector<16xi32>
      %add3A_727 = arith.addi %add3A_673, %add3A_726 : vector<16xi32>
      %swap3A_728 = arith.constant 3 : i32
      %swap3A_729 = arith.index_cast %swap3A_728 : i32 to index
      %swap3A_730 = arith.index_cast %multiple_of3A_663 : i32 to index
      %swap3A_731 = tpu.vector_load %arg11[%swap3A_729, %swap3A_730] {strides = array<i32>} : memref<16x512xi32, #tpu.memory_space<vmem>>, vector<16xi32>,
      tpu.vector_store %arg11[%swap3A_729, %swap3A_730], %add3A_727 {strides = array<i32>} : memref<16x512xi32, #tpu.memory_space<vmem>>, vector<16xi32>,
      %add3A_732 = arith.constant 196608 : i32
      %add3A_733 = vector.broadcast %add3A_732 : i32 to vector<16xi32>
      %add3A_734 = arith.addi %add3A_683, %add3A_733 : vector<16xi32>
      %swap3A_735 = arith.constant 3 : i32
      %swap3A_736 = arith.index_cast %swap3A_735 : i32 to index
      %swap3A_737 = arith.index_cast %multiple_of3A_663 : i32 to index
      %swap3A_738 = tpu.vector_load %arg12[%swap3A_736, %swap3A_737] {strides = array<i32>} : memref<16x512xi32, #tpu.memory_space<vmem>>, vector<16xi32>,
      tpu.vector_store %arg12[%swap3A_736, %swap3A_737], %add3A_734 {strides = array<i32>} : memref<16x512xi32, #tpu.memory_space<vmem>>, vector<16xi32>,
      %add3A_739 = arith.constant 262144 : i32
      %add3A_740 = vector.broadcast %add3A_739 : i32 to vector<16xi32>
      %add3A_741 = arith.addi %add3A_673, %add3A_740 : vector<16xi32>
      %swap3A_742 = arith.constant 4 : i32
      %swap3A_743 = arith.index_cast %swap3A_742 : i32 to index
      %swap3A_744 = arith.index_cast %multiple_of3A_663 : i32 to index
      %swap3A_745 = tpu.vector_load %arg11[%swap3A_743, %swap3A_744] {strides = array<i32>} : memref<16x512xi32, #tpu.memory_space<vmem>>, vector<16xi32>,
      tpu.vector_store %arg11[%swap3A_743, %swap3A_744], %add3A_741 {strides = array<i32>} : memref<16x512xi32, #tpu.memory_space<vmem>>, vector<16xi32>,
      %add3A_746 = arith.constant 262144 : i32
      %add3A_747 = vector.broadcast %add3A_746 : i32 to vector<16xi32>
      %add3A_748 = arith.addi %add3A_683, %add3A_747 : vector<16xi32>
      %swap3A_749 = arith.constant 4 : i32
      %swap3A_750 = arith.index_cast %swap3A_749 : i32 to index
      %swap3A_751 = arith.index_cast %multiple_of3A_663 : i32 to index
      %swap3A_752 = tpu.vector_load %arg12[%swap3A_750, %swap3A_751] {strides = array<i32>} : memref<16x512xi32, #tpu.memory_space<vmem>>, vector<16xi32>,
      tpu.vector_store %arg12[%swap3A_750, %swap3A_751], %add3A_748 {strides = array<i32>} : memref<16x512xi32, #tpu.memory_space<vmem>>, vector<16xi32>,
      %add3A_753 = arith.constant 327680 : i32
      %add3A_754 = vector.broadcast %add3A_753 : i32 to vector<16xi32>
      %add3A_755 = arith.addi %add3A_673, %add3A_754 : vector<16xi32>
      %swap3A_756 = arith.constant 5 : i32
      %swap3A_757 = arith.index_cast %swap3A_756 : i32 to index
      %swap3A_758 = arith.index_cast %multiple_of3A_663 : i32 to index
      %swap3A_759 = tpu.vector_load %arg11[%swap3A_757, %swap3A_758] {strides = array<i32>} : memref<16x512xi32, #tpu.memory_space<vmem>>, vector<16xi32>,
      tpu.vector_store %arg11[%swap3A_757, %swap3A_758], %add3A_755 {strides = array<i32>} : memref<16x512xi32, #tpu.memory_space<vmem>>, vector<16xi32>,
      %add3A_760 = arith.constant 327680 : i32
      %add3A_761 = vector.broadcast %add3A_760 : i32 to vector<16xi32>
      %add3A_762 = arith.addi %add3A_683, %add3A_761 : vector<16xi32>
      %swap3A_763 = arith.constant 5 : i32
      %swap3A_764 = arith.index_cast %swap3A_763 : i32 to index
      %swap3A_765 = arith.index_cast %multiple_of3A_663 : i32 to index
      %swap3A_766 = tpu.vector_load %arg12[%swap3A_764, %swap3A_765] {strides = array<i32>} : memref<16x512xi32, #tpu.memory_space<vmem>>, vector<16xi32>,
      tpu.vector_store %arg12[%swap3A_764, %swap3A_765], %add3A_762 {strides = array<i32>} : memref<16x512xi32, #tpu.memory_space<vmem>>, vector<16xi32>,
      %add3A_767 = arith.constant 393216 : i32
      %add3A_768 = vector.broadcast %add3A_767 : i32 to vector<16xi32>
      %add3A_769 = arith.addi %add3A_673, %add3A_768 : vector<16xi32>
      %swap3A_770 = arith.constant 6 : i32
      %swap3A_771 = arith.index_cast %swap3A_770 : i32 to index
      %swap3A_772 = arith.index_cast %multiple_of3A_663 : i32 to index
      %swap3A_773 = tpu.vector_load %arg11[%swap3A_771, %swap3A_772] {strides = array<i32>} : memref<16x512xi32, #tpu.memory_space<vmem>>, vector<16xi32>,
      tpu.vector_store %arg11[%swap3A_771, %swap3A_772], %add3A_769 {strides = array<i32>} : memref<16x512xi32, #tpu.memory_space<vmem>>, vector<16xi32>,
      %add3A_774 = arith.constant 393216 : i32
      %add3A_775 = vector.broadcast %add3A_774 : i32 to vector<16xi32>
      %add3A_776 = arith.addi %add3A_683, %add3A_775 : vector<16xi32>
      %swap3A_777 = arith.constant 6 : i32
      %swap3A_778 = arith.index_cast %swap3A_777 : i32 to index
      %swap3A_779 = arith.index_cast %multiple_of3A_663 : i32 to index
      %swap3A_780 = tpu.vector_load %arg12[%swap3A_778, %swap3A_779] {strides = array<i32>} : memref<16x512xi32, #tpu.memory_space<vmem>>, vector<16xi32>,
      tpu.vector_store %arg12[%swap3A_778, %swap3A_779], %add3A_776 {strides = array<i32>} : memref<16x512xi32, #tpu.memory_space<vmem>>, vector<16xi32>,
      %add3A_781 = arith.constant 458752 : i32
      %add3A_782 = vector.broadcast %add3A_781 : i32 to vector<16xi32>
      %add3A_783 = arith.addi %add3A_673, %add3A_782 : vector<16xi32>
      %swap3A_784 = arith.constant 7 : i32
      %swap3A_785 = arith.index_cast %swap3A_784 : i32 to index
      %swap3A_786 = arith.index_cast %multiple_of3A_663 : i32 to index
      %swap3A_787 = tpu.vector_load %arg11[%swap3A_785, %swap3A_786] {strides = array<i32>} : memref<16x512xi32, #tpu.memory_space<vmem>>, vector<16xi32>,
      tpu.vector_store %arg11[%swap3A_785, %swap3A_786], %add3A_783 {strides = array<i32>} : memref<16x512xi32, #tpu.memory_space<vmem>>, vector<16xi32>,
      %add3A_788 = arith.constant 458752 : i32
      %add3A_789 = vector.broadcast %add3A_788 : i32 to vector<16xi32>
      %add3A_790 = arith.addi %add3A_683, %add3A_789 : vector<16xi32>
      %swap3A_791 = arith.constant 7 : i32
      %swap3A_792 = arith.index_cast %swap3A_791 : i32 to index
      %swap3A_793 = arith.index_cast %multiple_of3A_663 : i32 to index
      %swap3A_794 = tpu.vector_load %arg12[%swap3A_792, %swap3A_793] {strides = array<i32>} : memref<16x512xi32, #tpu.memory_space<vmem>>, vector<16xi32>,
      tpu.vector_store %arg12[%swap3A_792, %swap3A_793], %add3A_790 {strides = array<i32>} : memref<16x512xi32, #tpu.memory_space<vmem>>, vector<16xi32>,
      %add3A_795 = arith.constant 524288 : i32
      %add3A_796 = vector.broadcast %add3A_795 : i32 to vector<16xi32>
      %add3A_797 = arith.addi %add3A_673, %add3A_796 : vector<16xi32>
      %swap3A_798 = arith.constant 8 : i32
      %swap3A_799 = arith.index_cast %swap3A_798 : i32 to index
      %swap3A_800 = arith.index_cast %multiple_of3A_663 : i32 to index
      %swap3A_801 = tpu.vector_load %arg11[%swap3A_799, %swap3A_800] {strides = array<i32>} : memref<16x512xi32, #tpu.memory_space<vmem>>, vector<16xi32>,
      tpu.vector_store %arg11[%swap3A_799, %swap3A_800], %add3A_797 {strides = array<i32>} : memref<16x512xi32, #tpu.memory_space<vmem>>, vector<16xi32>,
      %add3A_802 = arith.constant 524288 : i32
      %add3A_803 = vector.broadcast %add3A_802 : i32 to vector<16xi32>
      %add3A_804 = arith.addi %add3A_683, %add3A_803 : vector<16xi32>
      %swap3A_805 = arith.constant 8 : i32
      %swap3A_806 = arith.index_cast %swap3A_805 : i32 to index
      %swap3A_807 = arith.index_cast %multiple_of3A_663 : i32 to index
      %swap3A_808 = tpu.vector_load %arg12[%swap3A_806, %swap3A_807] {strides = array<i32>} : memref<16x512xi32, #tpu.memory_space<vmem>>, vector<16xi32>,
      tpu.vector_store %arg12[%swap3A_806, %swap3A_807], %add3A_804 {strides = array<i32>} : memref<16x512xi32, #tpu.memory_space<vmem>>, vector<16xi32>,
      %add3A_809 = arith.constant 589824 : i32
      %add3A_810 = vector.broadcast %add3A_809 : i32 to vector<16xi32>
      %add3A_811 = arith.addi %add3A_673, %add3A_810 : vector<16xi32>
      %swap3A_812 = arith.constant 9 : i32
      %swap3A_813 = arith.index_cast %swap3A_812 : i32 to index
      %swap3A_814 = arith.index_cast %multiple_of3A_663 : i32 to index
      %swap3A_815 = tpu.vector_load %arg11[%swap3A_813, %swap3A_814] {strides = array<i32>} : memref<16x512xi32, #tpu.memory_space<vmem>>, vector<16xi32>,
      tpu.vector_store %arg11[%swap3A_813, %swap3A_814], %add3A_811 {strides = array<i32>} : memref<16x512xi32, #tpu.memory_space<vmem>>, vector<16xi32>,
      %add3A_816 = arith.constant 589824 : i32
      %add3A_817 = vector.broadcast %add3A_816 : i32 to vector<16xi32>
      %add3A_818 = arith.addi %add3A_683, %add3A_817 : vector<16xi32>
      %swap3A_819 = arith.constant 9 : i32
      %swap3A_820 = arith.index_cast %swap3A_819 : i32 to index
      %swap3A_821 = arith.index_cast %multiple_of3A_663 : i32 to index
      %swap3A_822 = tpu.vector_load %arg12[%swap3A_820, %swap3A_821] {strides = array<i32>} : memref<16x512xi32, #tpu.memory_space<vmem>>, vector<16xi32>,
      tpu.vector_store %arg12[%swap3A_820, %swap3A_821], %add3A_818 {strides = array<i32>} : memref<16x512xi32, #tpu.memory_space<vmem>>, vector<16xi32>,
      %add3A_823 = arith.constant 655360 : i32
      %add3A_824 = vector.broadcast %add3A_823 : i32 to vector<16xi32>
      %add3A_825 = arith.addi %add3A_673, %add3A_824 : vector<16xi32>
      %swap3A_826 = arith.constant 10 : i32
      %swap3A_827 = arith.index_cast %swap3A_826 : i32 to index
      %swap3A_828 = arith.index_cast %multiple_of3A_663 : i32 to index
      %swap3A_829 = tpu.vector_load %arg11[%swap3A_827, %swap3A_828] {strides = array<i32>} : memref<16x512xi32, #tpu.memory_space<vmem>>, vector<16xi32>,
      tpu.vector_store %arg11[%swap3A_827, %swap3A_828], %add3A_825 {strides = array<i32>} : memref<16x512xi32, #tpu.memory_space<vmem>>, vector<16xi32>,
      %add3A_830 = arith.constant 655360 : i32
      %add3A_831 = vector.broadcast %add3A_830 : i32 to vector<16xi32>
      %add3A_832 = arith.addi %add3A_683, %add3A_831 : vector<16xi32>
      %swap3A_833 = arith.constant 10 : i32
      %swap3A_834 = arith.index_cast %swap3A_833 : i32 to index
      %swap3A_835 = arith.index_cast %multiple_of3A_663 : i32 to index
      %swap3A_836 = tpu.vector_load %arg12[%swap3A_834, %swap3A_835] {strides = array<i32>} : memref<16x512xi32, #tpu.memory_space<vmem>>, vector<16xi32>,
      tpu.vector_store %arg12[%swap3A_834, %swap3A_835], %add3A_832 {strides = array<i32>} : memref<16x512xi32, #tpu.memory_space<vmem>>, vector<16xi32>,
      %add3A_837 = arith.constant 720896 : i32
      %add3A_838 = vector.broadcast %add3A_837 : i32 to vector<16xi32>
      %add3A_839 = arith.addi %add3A_673, %add3A_838 : vector<16xi32>
      %swap3A_840 = arith.constant 11 : i32
      %swap3A_841 = arith.index_cast %swap3A_840 : i32 to index
      %swap3A_842 = arith.index_cast %multiple_of3A_663 : i32 to index
      %swap3A_843 = tpu.vector_load %arg11[%swap3A_841, %swap3A_842] {strides = array<i32>} : memref<16x512xi32, #tpu.memory_space<vmem>>, vector<16xi32>,
      tpu.vector_store %arg11[%swap3A_841, %swap3A_842], %add3A_839 {strides = array<i32>} : memref<16x512xi32, #tpu.memory_space<vmem>>, vector<16xi32>,
      %add3A_844 = arith.constant 720896 : i32
      %add3A_845 = vector.broadcast %add3A_844 : i32 to vector<16xi32>
      %add3A_846 = arith.addi %add3A_683, %add3A_845 : vector<16xi32>
      %swap3A_847 = arith.constant 11 : i32
      %swap3A_848 = arith.index_cast %swap3A_847 : i32 to index
      %swap3A_849 = arith.index_cast %multiple_of3A_663 : i32 to index
      %swap3A_850 = tpu.vector_load %arg12[%swap3A_848, %swap3A_849] {strides = array<i32>} : memref<16x512xi32, #tpu.memory_space<vmem>>, vector<16xi32>,
      tpu.vector_store %arg12[%swap3A_848, %swap3A_849], %add3A_846 {strides = array<i32>} : memref<16x512xi32, #tpu.memory_space<vmem>>, vector<16xi32>,
      %add3A_851 = arith.constant 786432 : i32
      %add3A_852 = vector.broadcast %add3A_851 : i32 to vector<16xi32>
      %add3A_853 = arith.addi %add3A_673, %add3A_852 : vector<16xi32>
      %swap3A_854 = arith.constant 12 : i32
      %swap3A_855 = arith.index_cast %swap3A_854 : i32 to index
      %swap3A_856 = arith.index_cast %multiple_of3A_663 : i32 to index
      %swap3A_857 = tpu.vector_load %arg11[%swap3A_855, %swap3A_856] {strides = array<i32>} : memref<16x512xi32, #tpu.memory_space<vmem>>, vector<16xi32>,
      tpu.vector_store %arg11[%swap3A_855, %swap3A_856], %add3A_853 {strides = array<i32>} : memref<16x512xi32, #tpu.memory_space<vmem>>, vector<16xi32>,
      %add3A_858 = arith.constant 786432 : i32
      %add3A_859 = vector.broadcast %add3A_858 : i32 to vector<16xi32>
      %add3A_860 = arith.addi %add3A_683, %add3A_859 : vector<16xi32>
      %swap3A_861 = arith.constant 12 : i32
      %swap3A_862 = arith.index_cast %swap3A_861 : i32 to index
      %swap3A_863 = arith.index_cast %multiple_of3A_663 : i32 to index
      %swap3A_864 = tpu.vector_load %arg12[%swap3A_862, %swap3A_863] {strides = array<i32>} : memref<16x512xi32, #tpu.memory_space<vmem>>, vector<16xi32>,
      tpu.vector_store %arg12[%swap3A_862, %swap3A_863], %add3A_860 {strides = array<i32>} : memref<16x512xi32, #tpu.memory_space<vmem>>, vector<16xi32>,
      %add3A_865 = arith.constant 851968 : i32
      %add3A_866 = vector.broadcast %add3A_865 : i32 to vector<16xi32>
      %add3A_867 = arith.addi %add3A_673, %add3A_866 : vector<16xi32>
      %swap3A_868 = arith.constant 13 : i32
      %swap3A_869 = arith.index_cast %swap3A_868 : i32 to index
      %swap3A_870 = arith.index_cast %multiple_of3A_663 : i32 to index
      %swap3A_871 = tpu.vector_load %arg11[%swap3A_869, %swap3A_870] {strides = array<i32>} : memref<16x512xi32, #tpu.memory_space<vmem>>, vector<16xi32>,
      tpu.vector_store %arg11[%swap3A_869, %swap3A_870], %add3A_867 {strides = array<i32>} : memref<16x512xi32, #tpu.memory_space<vmem>>, vector<16xi32>,
      %add3A_872 = arith.constant 851968 : i32
      %add3A_873 = vector.broadcast %add3A_872 : i32 to vector<16xi32>
      %add3A_874 = arith.addi %add3A_683, %add3A_873 : vector<16xi32>
      %swap3A_875 = arith.constant 13 : i32
      %swap3A_876 = arith.index_cast %swap3A_875 : i32 to index
      %swap3A_877 = arith.index_cast %multiple_of3A_663 : i32 to index
      %swap3A_878 = tpu.vector_load %arg12[%swap3A_876, %swap3A_877] {strides = array<i32>} : memref<16x512xi32, #tpu.memory_space<vmem>>, vector<16xi32>,
      tpu.vector_store %arg12[%swap3A_876, %swap3A_877], %add3A_874 {strides = array<i32>} : memref<16x512xi32, #tpu.memory_space<vmem>>, vector<16xi32>,
      %add3A_879 = arith.constant 917504 : i32
      %add3A_880 = vector.broadcast %add3A_879 : i32 to vector<16xi32>
      %add3A_881 = arith.addi %add3A_673, %add3A_880 : vector<16xi32>
      %swap3A_882 = arith.constant 14 : i32
      %swap3A_883 = arith.index_cast %swap3A_882 : i32 to index
      %swap3A_884 = arith.index_cast %multiple_of3A_663 : i32 to index
      %swap3A_885 = tpu.vector_load %arg11[%swap3A_883, %swap3A_884] {strides = array<i32>} : memref<16x512xi32, #tpu.memory_space<vmem>>, vector<16xi32>,
      tpu.vector_store %arg11[%swap3A_883, %swap3A_884], %add3A_881 {strides = array<i32>} : memref<16x512xi32, #tpu.memory_space<vmem>>, vector<16xi32>,
      %add3A_886 = arith.constant 917504 : i32
      %add3A_887 = vector.broadcast %add3A_886 : i32 to vector<16xi32>
      %add3A_888 = arith.addi %add3A_683, %add3A_887 : vector<16xi32>
      %swap3A_889 = arith.constant 14 : i32
      %swap3A_890 = arith.index_cast %swap3A_889 : i32 to index
      %swap3A_891 = arith.index_cast %multiple_of3A_663 : i32 to index
      %swap3A_892 = tpu.vector_load %arg12[%swap3A_890, %swap3A_891] {strides = array<i32>} : memref<16x512xi32, #tpu.memory_space<vmem>>, vector<16xi32>,
      tpu.vector_store %arg12[%swap3A_890, %swap3A_891], %add3A_888 {strides = array<i32>} : memref<16x512xi32, #tpu.memory_space<vmem>>, vector<16xi32>,
      %add3A_893 = arith.constant 983040 : i32
      %add3A_894 = vector.broadcast %add3A_893 : i32 to vector<16xi32>
      %add3A_895 = arith.addi %add3A_673, %add3A_894 : vector<16xi32>
      %swap3A_896 = arith.constant 15 : i32
      %swap3A_897 = arith.index_cast %swap3A_896 : i32 to index
      %swap3A_898 = arith.index_cast %multiple_of3A_663 : i32 to index
      %swap3A_899 = tpu.vector_load %arg11[%swap3A_897, %swap3A_898] {strides = array<i32>} : memref<16x512xi32, #tpu.memory_space<vmem>>, vector<16xi32>,
      tpu.vector_store %arg11[%swap3A_897, %swap3A_898], %add3A_895 {strides = array<i32>} : memref<16x512xi32, #tpu.memory_space<vmem>>, vector<16xi32>,
      %add3A_900 = arith.constant 983040 : i32
      %add3A_901 = vector.broadcast %add3A_900 : i32 to vector<16xi32>
      %add3A_902 = arith.addi %add3A_683, %add3A_901 : vector<16xi32>
      %swap3A_903 = arith.constant 15 : i32
      %swap3A_904 = arith.index_cast %swap3A_903 : i32 to index
      %swap3A_905 = arith.index_cast %multiple_of3A_663 : i32 to index
      %swap3A_906 = tpu.vector_load %arg12[%swap3A_904, %swap3A_905] {strides = array<i32>} : memref<16x512xi32, #tpu.memory_space<vmem>>, vector<16xi32>,
      tpu.vector_store %arg12[%swap3A_904, %swap3A_905], %add3A_902 {strides = array<i32>} : memref<16x512xi32, #tpu.memory_space<vmem>>, vector<16xi32>,
    }
    %scan3A_7 = arith.constant 32 : i32
    %dma_start3A = arith.constant 0 : i32
    %dma_start3A_8 = tpu.memref_slice %arg6[%dma_start3A] : memref<1000000xf32, #tpu.memory_space<hbm>> -> memref<1000000xf32, #tpu.memory_space<hbm>>
    tpu.enqueue_indirect_dma source(%dma_start3A_8 : memref<1000000xf32, #tpu.memory_space<hbm>>) target(%arg15 : memref<512xf32, #tpu.memory_space<vmem>>) offsets(%arg9 : memref<512xi32, #tpu.memory_space<vmem>>) semaphore(%arg18 : memref<!tpu.dma_semaphore, #tpu.memory_space<semaphore_mem>>)
    %dma_start3A_9 = arith.constant 0 : i32
    %dma_start3A_10 = tpu.memref_slice %arg7[%dma_start3A_9] : memref<1000000xf32, #tpu.memory_space<hbm>> -> memref<1000000xf32, #tpu.memory_space<hbm>>
    tpu.enqueue_indirect_dma source(%dma_start3A_10 : memref<1000000xf32, #tpu.memory_space<hbm>>) target(%arg16 : memref<512xf32, #tpu.memory_space<vmem>>) offsets(%arg10 : memref<512xi32, #tpu.memory_space<vmem>>) semaphore(%arg18 : memref<!tpu.dma_semaphore, #tpu.memory_space<semaphore_mem>>)
    %dma_start3A_11 = arith.constant 0 : i32
    %dma_start3A_12 = arith.constant 0 : i32
    %dma_start3A_13 = arith.constant 0 : i32
    %dma_start3A_14 = tpu.memref_slice %arg13[%dma_start3A_12, %dma_start3A_13] : memref<16x512xf32, #tpu.memory_space<vmem>> -> memref<1x512xf32, #tpu.memory_space<vmem>>
    %dma_start3A_15 = tpu.memref_squeeze %dma_start3A_14 : memref<1x512xf32, #tpu.memory_space<vmem>> -> memref<512xf32, #tpu.memory_space<vmem>>
    %dma_start3A_16 = arith.constant 0 : i32
    %dma_start3A_17 = tpu.memref_slice %arg11[%dma_start3A_11, %dma_start3A_16] : memref<16x512xi32, #tpu.memory_space<vmem>> -> memref<1x512xi32, #tpu.memory_space<vmem>>
    %dma_start3A_18 = tpu.memref_squeeze %dma_start3A_17 : memref<1x512xi32, #tpu.memory_space<vmem>> -> memref<512xi32, #tpu.memory_space<vmem>>
    %dma_start3A_19 = arith.constant 0 : i32
    %dma_start3A_20 = tpu.memref_slice %arg4[%dma_start3A_19] : memref<16777216xf32, #tpu.memory_space<hbm>> -> memref<16777216xf32, #tpu.memory_space<hbm>>
    tpu.enqueue_indirect_dma source(%dma_start3A_20 : memref<16777216xf32, #tpu.memory_space<hbm>>) target(%dma_start3A_15 : memref<512xf32, #tpu.memory_space<vmem>>) offsets(%dma_start3A_18 : memref<512xi32, #tpu.memory_space<vmem>>) semaphore(%arg18 : memref<!tpu.dma_semaphore, #tpu.memory_space<semaphore_mem>>)
    %dma_start3A_21 = arith.constant 0 : i32
    %dma_start3A_22 = arith.constant 0 : i32
    %dma_start3A_23 = arith.constant 0 : i32
    %dma_start3A_24 = tpu.memref_slice %arg14[%dma_start3A_22, %dma_start3A_23] : memref<16x512xf32, #tpu.memory_space<vmem>> -> memref<1x512xf32, #tpu.memory_space<vmem>>
    %dma_start3A_25 = tpu.memref_squeeze %dma_start3A_24 : memref<1x512xf32, #tpu.memory_space<vmem>> -> memref<512xf32, #tpu.memory_space<vmem>>
    %dma_start3A_26 = arith.constant 0 : i32
    %dma_start3A_27 = tpu.memref_slice %arg12[%dma_start3A_21, %dma_start3A_26] : memref<16x512xi32, #tpu.memory_space<vmem>> -> memref<1x512xi32, #tpu.memory_space<vmem>>
    %dma_start3A_28 = tpu.memref_squeeze %dma_start3A_27 : memref<1x512xi32, #tpu.memory_space<vmem>> -> memref<512xi32, #tpu.memory_space<vmem>>
    %dma_start3A_29 = arith.constant 0 : i32
    %dma_start3A_30 = tpu.memref_slice %arg5[%dma_start3A_29] : memref<16777216xf32, #tpu.memory_space<hbm>> -> memref<16777216xf32, #tpu.memory_space<hbm>>
    tpu.enqueue_indirect_dma source(%dma_start3A_30 : memref<16777216xf32, #tpu.memory_space<hbm>>) target(%dma_start3A_25 : memref<512xf32, #tpu.memory_space<vmem>>) offsets(%dma_start3A_28 : memref<512xi32, #tpu.memory_space<vmem>>) semaphore(%arg18 : memref<!tpu.dma_semaphore, #tpu.memory_space<semaphore_mem>>)
    %dma_start3A_31 = arith.constant 1 : i32
    %dma_start3A_32 = arith.constant 1 : i32
    %dma_start3A_33 = arith.constant 0 : i32
    %dma_start3A_34 = tpu.memref_slice %arg13[%dma_start3A_32, %dma_start3A_33] : memref<16x512xf32, #tpu.memory_space<vmem>> -> memref<1x512xf32, #tpu.memory_space<vmem>>
    %dma_start3A_35 = tpu.memref_squeeze %dma_start3A_34 : memref<1x512xf32, #tpu.memory_space<vmem>> -> memref<512xf32, #tpu.memory_space<vmem>>
    %dma_start3A_36 = arith.constant 0 : i32
    %dma_start3A_37 = tpu.memref_slice %arg11[%dma_start3A_31, %dma_start3A_36] : memref<16x512xi32, #tpu.memory_space<vmem>> -> memref<1x512xi32, #tpu.memory_space<vmem>>
    %dma_start3A_38 = tpu.memref_squeeze %dma_start3A_37 : memref<1x512xi32, #tpu.memory_space<vmem>> -> memref<512xi32, #tpu.memory_space<vmem>>
    %dma_start3A_39 = arith.constant 0 : i32
    %dma_start3A_40 = tpu.memref_slice %arg4[%dma_start3A_39] : memref<16777216xf32, #tpu.memory_space<hbm>> -> memref<16777216xf32, #tpu.memory_space<hbm>>
    tpu.enqueue_indirect_dma source(%dma_start3A_40 : memref<16777216xf32, #tpu.memory_space<hbm>>) target(%dma_start3A_35 : memref<512xf32, #tpu.memory_space<vmem>>) offsets(%dma_start3A_38 : memref<512xi32, #tpu.memory_space<vmem>>) semaphore(%arg18 : memref<!tpu.dma_semaphore, #tpu.memory_space<semaphore_mem>>)
    %dma_start3A_41 = arith.constant 1 : i32
    %dma_start3A_42 = arith.constant 1 : i32
    %dma_start3A_43 = arith.constant 0 : i32
    %dma_start3A_44 = tpu.memref_slice %arg14[%dma_start3A_42, %dma_start3A_43] : memref<16x512xf32, #tpu.memory_space<vmem>> -> memref<1x512xf32, #tpu.memory_space<vmem>>
    %dma_start3A_45 = tpu.memref_squeeze %dma_start3A_44 : memref<1x512xf32, #tpu.memory_space<vmem>> -> memref<512xf32, #tpu.memory_space<vmem>>
    %dma_start3A_46 = arith.constant 0 : i32
    %dma_start3A_47 = tpu.memref_slice %arg12[%dma_start3A_41, %dma_start3A_46] : memref<16x512xi32, #tpu.memory_space<vmem>> -> memref<1x512xi32, #tpu.memory_space<vmem>>
    %dma_start3A_48 = tpu.memref_squeeze %dma_start3A_47 : memref<1x512xi32, #tpu.memory_space<vmem>> -> memref<512xi32, #tpu.memory_space<vmem>>
    %dma_start3A_49 = arith.constant 0 : i32
    %dma_start3A_50 = tpu.memref_slice %arg5[%dma_start3A_49] : memref<16777216xf32, #tpu.memory_space<hbm>> -> memref<16777216xf32, #tpu.memory_space<hbm>>
    tpu.enqueue_indirect_dma source(%dma_start3A_50 : memref<16777216xf32, #tpu.memory_space<hbm>>) target(%dma_start3A_45 : memref<512xf32, #tpu.memory_space<vmem>>) offsets(%dma_start3A_48 : memref<512xi32, #tpu.memory_space<vmem>>) semaphore(%arg18 : memref<!tpu.dma_semaphore, #tpu.memory_space<semaphore_mem>>)
    %dma_start3A_51 = arith.constant 2 : i32
    %dma_start3A_52 = arith.constant 2 : i32
    %dma_start3A_53 = arith.constant 0 : i32
    %dma_start3A_54 = tpu.memref_slice %arg13[%dma_start3A_52, %dma_start3A_53] : memref<16x512xf32, #tpu.memory_space<vmem>> -> memref<1x512xf32, #tpu.memory_space<vmem>>
    %dma_start3A_55 = tpu.memref_squeeze %dma_start3A_54 : memref<1x512xf32, #tpu.memory_space<vmem>> -> memref<512xf32, #tpu.memory_space<vmem>>
    %dma_start3A_56 = arith.constant 0 : i32
    %dma_start3A_57 = tpu.memref_slice %arg11[%dma_start3A_51, %dma_start3A_56] : memref<16x512xi32, #tpu.memory_space<vmem>> -> memref<1x512xi32, #tpu.memory_space<vmem>>
    %dma_start3A_58 = tpu.memref_squeeze %dma_start3A_57 : memref<1x512xi32, #tpu.memory_space<vmem>> -> memref<512xi32, #tpu.memory_space<vmem>>
    %dma_start3A_59 = arith.constant 0 : i32
    %dma_start3A_60 = tpu.memref_slice %arg4[%dma_start3A_59] : memref<16777216xf32, #tpu.memory_space<hbm>> -> memref<16777216xf32, #tpu.memory_space<hbm>>
    tpu.enqueue_indirect_dma source(%dma_start3A_60 : memref<16777216xf32, #tpu.memory_space<hbm>>) target(%dma_start3A_55 : memref<512xf32, #tpu.memory_space<vmem>>) offsets(%dma_start3A_58 : memref<512xi32, #tpu.memory_space<vmem>>) semaphore(%arg18 : memref<!tpu.dma_semaphore, #tpu.memory_space<semaphore_mem>>)
    %dma_start3A_61 = arith.constant 2 : i32
    %dma_start3A_62 = arith.constant 2 : i32
    %dma_start3A_63 = arith.constant 0 : i32
    %dma_start3A_64 = tpu.memref_slice %arg14[%dma_start3A_62, %dma_start3A_63] : memref<16x512xf32, #tpu.memory_space<vmem>> -> memref<1x512xf32, #tpu.memory_space<vmem>>
    %dma_start3A_65 = tpu.memref_squeeze %dma_start3A_64 : memref<1x512xf32, #tpu.memory_space<vmem>> -> memref<512xf32, #tpu.memory_space<vmem>>
    %dma_start3A_66 = arith.constant 0 : i32
    %dma_start3A_67 = tpu.memref_slice %arg12[%dma_start3A_61, %dma_start3A_66] : memref<16x512xi32, #tpu.memory_space<vmem>> -> memref<1x512xi32, #tpu.memory_space<vmem>>
    %dma_start3A_68 = tpu.memref_squeeze %dma_start3A_67 : memref<1x512xi32, #tpu.memory_space<vmem>> -> memref<512xi32, #tpu.memory_space<vmem>>
    %dma_start3A_69 = arith.constant 0 : i32
    %dma_start3A_70 = tpu.memref_slice %arg5[%dma_start3A_69] : memref<16777216xf32, #tpu.memory_space<hbm>> -> memref<16777216xf32, #tpu.memory_space<hbm>>
    tpu.enqueue_indirect_dma source(%dma_start3A_70 : memref<16777216xf32, #tpu.memory_space<hbm>>) target(%dma_start3A_65 : memref<512xf32, #tpu.memory_space<vmem>>) offsets(%dma_start3A_68 : memref<512xi32, #tpu.memory_space<vmem>>) semaphore(%arg18 : memref<!tpu.dma_semaphore, #tpu.memory_space<semaphore_mem>>)
    %dma_start3A_71 = arith.constant 3 : i32
    %dma_start3A_72 = arith.constant 3 : i32
    %dma_start3A_73 = arith.constant 0 : i32
    %dma_start3A_74 = tpu.memref_slice %arg13[%dma_start3A_72, %dma_start3A_73] : memref<16x512xf32, #tpu.memory_space<vmem>> -> memref<1x512xf32, #tpu.memory_space<vmem>>
    %dma_start3A_75 = tpu.memref_squeeze %dma_start3A_74 : memref<1x512xf32, #tpu.memory_space<vmem>> -> memref<512xf32, #tpu.memory_space<vmem>>
    %dma_start3A_76 = arith.constant 0 : i32
    %dma_start3A_77 = tpu.memref_slice %arg11[%dma_start3A_71, %dma_start3A_76] : memref<16x512xi32, #tpu.memory_space<vmem>> -> memref<1x512xi32, #tpu.memory_space<vmem>>
    %dma_start3A_78 = tpu.memref_squeeze %dma_start3A_77 : memref<1x512xi32, #tpu.memory_space<vmem>> -> memref<512xi32, #tpu.memory_space<vmem>>
    %dma_start3A_79 = arith.constant 0 : i32
    %dma_start3A_80 = tpu.memref_slice %arg4[%dma_start3A_79] : memref<16777216xf32, #tpu.memory_space<hbm>> -> memref<16777216xf32, #tpu.memory_space<hbm>>
    tpu.enqueue_indirect_dma source(%dma_start3A_80 : memref<16777216xf32, #tpu.memory_space<hbm>>) target(%dma_start3A_75 : memref<512xf32, #tpu.memory_space<vmem>>) offsets(%dma_start3A_78 : memref<512xi32, #tpu.memory_space<vmem>>) semaphore(%arg18 : memref<!tpu.dma_semaphore, #tpu.memory_space<semaphore_mem>>)
    %dma_start3A_81 = arith.constant 3 : i32
    %dma_start3A_82 = arith.constant 3 : i32
    %dma_start3A_83 = arith.constant 0 : i32
    %dma_start3A_84 = tpu.memref_slice %arg14[%dma_start3A_82, %dma_start3A_83] : memref<16x512xf32, #tpu.memory_space<vmem>> -> memref<1x512xf32, #tpu.memory_space<vmem>>
    %dma_start3A_85 = tpu.memref_squeeze %dma_start3A_84 : memref<1x512xf32, #tpu.memory_space<vmem>> -> memref<512xf32, #tpu.memory_space<vmem>>
    %dma_start3A_86 = arith.constant 0 : i32
    %dma_start3A_87 = tpu.memref_slice %arg12[%dma_start3A_81, %dma_start3A_86] : memref<16x512xi32, #tpu.memory_space<vmem>> -> memref<1x512xi32, #tpu.memory_space<vmem>>
    %dma_start3A_88 = tpu.memref_squeeze %dma_start3A_87 : memref<1x512xi32, #tpu.memory_space<vmem>> -> memref<512xi32, #tpu.memory_space<vmem>>
    %dma_start3A_89 = arith.constant 0 : i32
    %dma_start3A_90 = tpu.memref_slice %arg5[%dma_start3A_89] : memref<16777216xf32, #tpu.memory_space<hbm>> -> memref<16777216xf32, #tpu.memory_space<hbm>>
    tpu.enqueue_indirect_dma source(%dma_start3A_90 : memref<16777216xf32, #tpu.memory_space<hbm>>) target(%dma_start3A_85 : memref<512xf32, #tpu.memory_space<vmem>>) offsets(%dma_start3A_88 : memref<512xi32, #tpu.memory_space<vmem>>) semaphore(%arg18 : memref<!tpu.dma_semaphore, #tpu.memory_space<semaphore_mem>>)
    %dma_start3A_91 = arith.constant 4 : i32
    %dma_start3A_92 = arith.constant 4 : i32
    %dma_start3A_93 = arith.constant 0 : i32
    %dma_start3A_94 = tpu.memref_slice %arg13[%dma_start3A_92, %dma_start3A_93] : memref<16x512xf32, #tpu.memory_space<vmem>> -> memref<1x512xf32, #tpu.memory_space<vmem>>
    %dma_start3A_95 = tpu.memref_squeeze %dma_start3A_94 : memref<1x512xf32, #tpu.memory_space<vmem>> -> memref<512xf32, #tpu.memory_space<vmem>>
    %dma_start3A_96 = arith.constant 0 : i32
    %dma_start3A_97 = tpu.memref_slice %arg11[%dma_start3A_91, %dma_start3A_96] : memref<16x512xi32, #tpu.memory_space<vmem>> -> memref<1x512xi32, #tpu.memory_space<vmem>>
    %dma_start3A_98 = tpu.memref_squeeze %dma_start3A_97 : memref<1x512xi32, #tpu.memory_space<vmem>> -> memref<512xi32, #tpu.memory_space<vmem>>
    %dma_start3A_99 = arith.constant 0 : i32
    %dma_start3A_100 = tpu.memref_slice %arg4[%dma_start3A_99] : memref<16777216xf32, #tpu.memory_space<hbm>> -> memref<16777216xf32, #tpu.memory_space<hbm>>
    tpu.enqueue_indirect_dma source(%dma_start3A_100 : memref<16777216xf32, #tpu.memory_space<hbm>>) target(%dma_start3A_95 : memref<512xf32, #tpu.memory_space<vmem>>) offsets(%dma_start3A_98 : memref<512xi32, #tpu.memory_space<vmem>>) semaphore(%arg18 : memref<!tpu.dma_semaphore, #tpu.memory_space<semaphore_mem>>)
    %dma_start3A_101 = arith.constant 4 : i32
    %dma_start3A_102 = arith.constant 4 : i32
    %dma_start3A_103 = arith.constant 0 : i32
    %dma_start3A_104 = tpu.memref_slice %arg14[%dma_start3A_102, %dma_start3A_103] : memref<16x512xf32, #tpu.memory_space<vmem>> -> memref<1x512xf32, #tpu.memory_space<vmem>>
    %dma_start3A_105 = tpu.memref_squeeze %dma_start3A_104 : memref<1x512xf32, #tpu.memory_space<vmem>> -> memref<512xf32, #tpu.memory_space<vmem>>
    %dma_start3A_106 = arith.constant 0 : i32
    %dma_start3A_107 = tpu.memref_slice %arg12[%dma_start3A_101, %dma_start3A_106] : memref<16x512xi32, #tpu.memory_space<vmem>> -> memref<1x512xi32, #tpu.memory_space<vmem>>
    %dma_start3A_108 = tpu.memref_squeeze %dma_start3A_107 : memref<1x512xi32, #tpu.memory_space<vmem>> -> memref<512xi32, #tpu.memory_space<vmem>>
    %dma_start3A_109 = arith.constant 0 : i32
    %dma_start3A_110 = tpu.memref_slice %arg5[%dma_start3A_109] : memref<16777216xf32, #tpu.memory_space<hbm>> -> memref<16777216xf32, #tpu.memory_space<hbm>>
    tpu.enqueue_indirect_dma source(%dma_start3A_110 : memref<16777216xf32, #tpu.memory_space<hbm>>) target(%dma_start3A_105 : memref<512xf32, #tpu.memory_space<vmem>>) offsets(%dma_start3A_108 : memref<512xi32, #tpu.memory_space<vmem>>) semaphore(%arg18 : memref<!tpu.dma_semaphore, #tpu.memory_space<semaphore_mem>>)
    %dma_start3A_111 = arith.constant 5 : i32
    %dma_start3A_112 = arith.constant 5 : i32
    %dma_start3A_113 = arith.constant 0 : i32
    %dma_start3A_114 = tpu.memref_slice %arg13[%dma_start3A_112, %dma_start3A_113] : memref<16x512xf32, #tpu.memory_space<vmem>> -> memref<1x512xf32, #tpu.memory_space<vmem>>
    %dma_start3A_115 = tpu.memref_squeeze %dma_start3A_114 : memref<1x512xf32, #tpu.memory_space<vmem>> -> memref<512xf32, #tpu.memory_space<vmem>>
    %dma_start3A_116 = arith.constant 0 : i32
    %dma_start3A_117 = tpu.memref_slice %arg11[%dma_start3A_111, %dma_start3A_116] : memref<16x512xi32, #tpu.memory_space<vmem>> -> memref<1x512xi32, #tpu.memory_space<vmem>>
    %dma_start3A_118 = tpu.memref_squeeze %dma_start3A_117 : memref<1x512xi32, #tpu.memory_space<vmem>> -> memref<512xi32, #tpu.memory_space<vmem>>
    %dma_start3A_119 = arith.constant 0 : i32
    %dma_start3A_120 = tpu.memref_slice %arg4[%dma_start3A_119] : memref<16777216xf32, #tpu.memory_space<hbm>> -> memref<16777216xf32, #tpu.memory_space<hbm>>
    tpu.enqueue_indirect_dma source(%dma_start3A_120 : memref<16777216xf32, #tpu.memory_space<hbm>>) target(%dma_start3A_115 : memref<512xf32, #tpu.memory_space<vmem>>) offsets(%dma_start3A_118 : memref<512xi32, #tpu.memory_space<vmem>>) semaphore(%arg18 : memref<!tpu.dma_semaphore, #tpu.memory_space<semaphore_mem>>)
    %dma_start3A_121 = arith.constant 5 : i32
    %dma_start3A_122 = arith.constant 5 : i32
    %dma_start3A_123 = arith.constant 0 : i32
    %dma_start3A_124 = tpu.memref_slice %arg14[%dma_start3A_122, %dma_start3A_123] : memref<16x512xf32, #tpu.memory_space<vmem>> -> memref<1x512xf32, #tpu.memory_space<vmem>>
    %dma_start3A_125 = tpu.memref_squeeze %dma_start3A_124 : memref<1x512xf32, #tpu.memory_space<vmem>> -> memref<512xf32, #tpu.memory_space<vmem>>
    %dma_start3A_126 = arith.constant 0 : i32
    %dma_start3A_127 = tpu.memref_slice %arg12[%dma_start3A_121, %dma_start3A_126] : memref<16x512xi32, #tpu.memory_space<vmem>> -> memref<1x512xi32, #tpu.memory_space<vmem>>
    %dma_start3A_128 = tpu.memref_squeeze %dma_start3A_127 : memref<1x512xi32, #tpu.memory_space<vmem>> -> memref<512xi32, #tpu.memory_space<vmem>>
    %dma_start3A_129 = arith.constant 0 : i32
    %dma_start3A_130 = tpu.memref_slice %arg5[%dma_start3A_129] : memref<16777216xf32, #tpu.memory_space<hbm>> -> memref<16777216xf32, #tpu.memory_space<hbm>>
    tpu.enqueue_indirect_dma source(%dma_start3A_130 : memref<16777216xf32, #tpu.memory_space<hbm>>) target(%dma_start3A_125 : memref<512xf32, #tpu.memory_space<vmem>>) offsets(%dma_start3A_128 : memref<512xi32, #tpu.memory_space<vmem>>) semaphore(%arg18 : memref<!tpu.dma_semaphore, #tpu.memory_space<semaphore_mem>>)
    %dma_start3A_131 = arith.constant 6 : i32
    %dma_start3A_132 = arith.constant 6 : i32
    %dma_start3A_133 = arith.constant 0 : i32
    %dma_start3A_134 = tpu.memref_slice %arg13[%dma_start3A_132, %dma_start3A_133] : memref<16x512xf32, #tpu.memory_space<vmem>> -> memref<1x512xf32, #tpu.memory_space<vmem>>
    %dma_start3A_135 = tpu.memref_squeeze %dma_start3A_134 : memref<1x512xf32, #tpu.memory_space<vmem>> -> memref<512xf32, #tpu.memory_space<vmem>>
    %dma_start3A_136 = arith.constant 0 : i32
    %dma_start3A_137 = tpu.memref_slice %arg11[%dma_start3A_131, %dma_start3A_136] : memref<16x512xi32, #tpu.memory_space<vmem>> -> memref<1x512xi32, #tpu.memory_space<vmem>>
    %dma_start3A_138 = tpu.memref_squeeze %dma_start3A_137 : memref<1x512xi32, #tpu.memory_space<vmem>> -> memref<512xi32, #tpu.memory_space<vmem>>
    %dma_start3A_139 = arith.constant 0 : i32
    %dma_start3A_140 = tpu.memref_slice %arg4[%dma_start3A_139] : memref<16777216xf32, #tpu.memory_space<hbm>> -> memref<16777216xf32, #tpu.memory_space<hbm>>
    tpu.enqueue_indirect_dma source(%dma_start3A_140 : memref<16777216xf32, #tpu.memory_space<hbm>>) target(%dma_start3A_135 : memref<512xf32, #tpu.memory_space<vmem>>) offsets(%dma_start3A_138 : memref<512xi32, #tpu.memory_space<vmem>>) semaphore(%arg18 : memref<!tpu.dma_semaphore, #tpu.memory_space<semaphore_mem>>)
    %dma_start3A_141 = arith.constant 6 : i32
    %dma_start3A_142 = arith.constant 6 : i32
    %dma_start3A_143 = arith.constant 0 : i32
    %dma_start3A_144 = tpu.memref_slice %arg14[%dma_start3A_142, %dma_start3A_143] : memref<16x512xf32, #tpu.memory_space<vmem>> -> memref<1x512xf32, #tpu.memory_space<vmem>>
    %dma_start3A_145 = tpu.memref_squeeze %dma_start3A_144 : memref<1x512xf32, #tpu.memory_space<vmem>> -> memref<512xf32, #tpu.memory_space<vmem>>
    %dma_start3A_146 = arith.constant 0 : i32
    %dma_start3A_147 = tpu.memref_slice %arg12[%dma_start3A_141, %dma_start3A_146] : memref<16x512xi32, #tpu.memory_space<vmem>> -> memref<1x512xi32, #tpu.memory_space<vmem>>
    %dma_start3A_148 = tpu.memref_squeeze %dma_start3A_147 : memref<1x512xi32, #tpu.memory_space<vmem>> -> memref<512xi32, #tpu.memory_space<vmem>>
    %dma_start3A_149 = arith.constant 0 : i32
    %dma_start3A_150 = tpu.memref_slice %arg5[%dma_start3A_149] : memref<16777216xf32, #tpu.memory_space<hbm>> -> memref<16777216xf32, #tpu.memory_space<hbm>>
    tpu.enqueue_indirect_dma source(%dma_start3A_150 : memref<16777216xf32, #tpu.memory_space<hbm>>) target(%dma_start3A_145 : memref<512xf32, #tpu.memory_space<vmem>>) offsets(%dma_start3A_148 : memref<512xi32, #tpu.memory_space<vmem>>) semaphore(%arg18 : memref<!tpu.dma_semaphore, #tpu.memory_space<semaphore_mem>>)
    %dma_start3A_151 = arith.constant 7 : i32
    %dma_start3A_152 = arith.constant 7 : i32
    %dma_start3A_153 = arith.constant 0 : i32
    %dma_start3A_154 = tpu.memref_slice %arg13[%dma_start3A_152, %dma_start3A_153] : memref<16x512xf32, #tpu.memory_space<vmem>> -> memref<1x512xf32, #tpu.memory_space<vmem>>
    %dma_start3A_155 = tpu.memref_squeeze %dma_start3A_154 : memref<1x512xf32, #tpu.memory_space<vmem>> -> memref<512xf32, #tpu.memory_space<vmem>>
    %dma_start3A_156 = arith.constant 0 : i32
    %dma_start3A_157 = tpu.memref_slice %arg11[%dma_start3A_151, %dma_start3A_156] : memref<16x512xi32, #tpu.memory_space<vmem>> -> memref<1x512xi32, #tpu.memory_space<vmem>>
    %dma_start3A_158 = tpu.memref_squeeze %dma_start3A_157 : memref<1x512xi32, #tpu.memory_space<vmem>> -> memref<512xi32, #tpu.memory_space<vmem>>
    %dma_start3A_159 = arith.constant 0 : i32
    %dma_start3A_160 = tpu.memref_slice %arg4[%dma_start3A_159] : memref<16777216xf32, #tpu.memory_space<hbm>> -> memref<16777216xf32, #tpu.memory_space<hbm>>
    tpu.enqueue_indirect_dma source(%dma_start3A_160 : memref<16777216xf32, #tpu.memory_space<hbm>>) target(%dma_start3A_155 : memref<512xf32, #tpu.memory_space<vmem>>) offsets(%dma_start3A_158 : memref<512xi32, #tpu.memory_space<vmem>>) semaphore(%arg18 : memref<!tpu.dma_semaphore, #tpu.memory_space<semaphore_mem>>)
    %dma_start3A_161 = arith.constant 7 : i32
    %dma_start3A_162 = arith.constant 7 : i32
    %dma_start3A_163 = arith.constant 0 : i32
    %dma_start3A_164 = tpu.memref_slice %arg14[%dma_start3A_162, %dma_start3A_163] : memref<16x512xf32, #tpu.memory_space<vmem>> -> memref<1x512xf32, #tpu.memory_space<vmem>>
    %dma_start3A_165 = tpu.memref_squeeze %dma_start3A_164 : memref<1x512xf32, #tpu.memory_space<vmem>> -> memref<512xf32, #tpu.memory_space<vmem>>
    %dma_start3A_166 = arith.constant 0 : i32
    %dma_start3A_167 = tpu.memref_slice %arg12[%dma_start3A_161, %dma_start3A_166] : memref<16x512xi32, #tpu.memory_space<vmem>> -> memref<1x512xi32, #tpu.memory_space<vmem>>
    %dma_start3A_168 = tpu.memref_squeeze %dma_start3A_167 : memref<1x512xi32, #tpu.memory_space<vmem>> -> memref<512xi32, #tpu.memory_space<vmem>>
    %dma_start3A_169 = arith.constant 0 : i32
    %dma_start3A_170 = tpu.memref_slice %arg5[%dma_start3A_169] : memref<16777216xf32, #tpu.memory_space<hbm>> -> memref<16777216xf32, #tpu.memory_space<hbm>>
    tpu.enqueue_indirect_dma source(%dma_start3A_170 : memref<16777216xf32, #tpu.memory_space<hbm>>) target(%dma_start3A_165 : memref<512xf32, #tpu.memory_space<vmem>>) offsets(%dma_start3A_168 : memref<512xi32, #tpu.memory_space<vmem>>) semaphore(%arg18 : memref<!tpu.dma_semaphore, #tpu.memory_space<semaphore_mem>>)
    %dma_start3A_171 = arith.constant 8 : i32
    %dma_start3A_172 = arith.constant 8 : i32
    %dma_start3A_173 = arith.constant 0 : i32
    %dma_start3A_174 = tpu.memref_slice %arg13[%dma_start3A_172, %dma_start3A_173] : memref<16x512xf32, #tpu.memory_space<vmem>> -> memref<1x512xf32, #tpu.memory_space<vmem>>
    %dma_start3A_175 = tpu.memref_squeeze %dma_start3A_174 : memref<1x512xf32, #tpu.memory_space<vmem>> -> memref<512xf32, #tpu.memory_space<vmem>>
    %dma_start3A_176 = arith.constant 0 : i32
    %dma_start3A_177 = tpu.memref_slice %arg11[%dma_start3A_171, %dma_start3A_176] : memref<16x512xi32, #tpu.memory_space<vmem>> -> memref<1x512xi32, #tpu.memory_space<vmem>>
    %dma_start3A_178 = tpu.memref_squeeze %dma_start3A_177 : memref<1x512xi32, #tpu.memory_space<vmem>> -> memref<512xi32, #tpu.memory_space<vmem>>
    %dma_start3A_179 = arith.constant 0 : i32
    %dma_start3A_180 = tpu.memref_slice %arg4[%dma_start3A_179] : memref<16777216xf32, #tpu.memory_space<hbm>> -> memref<16777216xf32, #tpu.memory_space<hbm>>
    tpu.enqueue_indirect_dma source(%dma_start3A_180 : memref<16777216xf32, #tpu.memory_space<hbm>>) target(%dma_start3A_175 : memref<512xf32, #tpu.memory_space<vmem>>) offsets(%dma_start3A_178 : memref<512xi32, #tpu.memory_space<vmem>>) semaphore(%arg18 : memref<!tpu.dma_semaphore, #tpu.memory_space<semaphore_mem>>)
    %dma_start3A_181 = arith.constant 8 : i32
    %dma_start3A_182 = arith.constant 8 : i32
    %dma_start3A_183 = arith.constant 0 : i32
    %dma_start3A_184 = tpu.memref_slice %arg14[%dma_start3A_182, %dma_start3A_183] : memref<16x512xf32, #tpu.memory_space<vmem>> -> memref<1x512xf32, #tpu.memory_space<vmem>>
    %dma_start3A_185 = tpu.memref_squeeze %dma_start3A_184 : memref<1x512xf32, #tpu.memory_space<vmem>> -> memref<512xf32, #tpu.memory_space<vmem>>
    %dma_start3A_186 = arith.constant 0 : i32
    %dma_start3A_187 = tpu.memref_slice %arg12[%dma_start3A_181, %dma_start3A_186] : memref<16x512xi32, #tpu.memory_space<vmem>> -> memref<1x512xi32, #tpu.memory_space<vmem>>
    %dma_start3A_188 = tpu.memref_squeeze %dma_start3A_187 : memref<1x512xi32, #tpu.memory_space<vmem>> -> memref<512xi32, #tpu.memory_space<vmem>>
    %dma_start3A_189 = arith.constant 0 : i32
    %dma_start3A_190 = tpu.memref_slice %arg5[%dma_start3A_189] : memref<16777216xf32, #tpu.memory_space<hbm>> -> memref<16777216xf32, #tpu.memory_space<hbm>>
    tpu.enqueue_indirect_dma source(%dma_start3A_190 : memref<16777216xf32, #tpu.memory_space<hbm>>) target(%dma_start3A_185 : memref<512xf32, #tpu.memory_space<vmem>>) offsets(%dma_start3A_188 : memref<512xi32, #tpu.memory_space<vmem>>) semaphore(%arg18 : memref<!tpu.dma_semaphore, #tpu.memory_space<semaphore_mem>>)
    %dma_start3A_191 = arith.constant 9 : i32
    %dma_start3A_192 = arith.constant 9 : i32
    %dma_start3A_193 = arith.constant 0 : i32
    %dma_start3A_194 = tpu.memref_slice %arg13[%dma_start3A_192, %dma_start3A_193] : memref<16x512xf32, #tpu.memory_space<vmem>> -> memref<1x512xf32, #tpu.memory_space<vmem>>
    %dma_start3A_195 = tpu.memref_squeeze %dma_start3A_194 : memref<1x512xf32, #tpu.memory_space<vmem>> -> memref<512xf32, #tpu.memory_space<vmem>>
    %dma_start3A_196 = arith.constant 0 : i32
    %dma_start3A_197 = tpu.memref_slice %arg11[%dma_start3A_191, %dma_start3A_196] : memref<16x512xi32, #tpu.memory_space<vmem>> -> memref<1x512xi32, #tpu.memory_space<vmem>>
    %dma_start3A_198 = tpu.memref_squeeze %dma_start3A_197 : memref<1x512xi32, #tpu.memory_space<vmem>> -> memref<512xi32, #tpu.memory_space<vmem>>
    %dma_start3A_199 = arith.constant 0 : i32
    %dma_start3A_200 = tpu.memref_slice %arg4[%dma_start3A_199] : memref<16777216xf32, #tpu.memory_space<hbm>> -> memref<16777216xf32, #tpu.memory_space<hbm>>
    tpu.enqueue_indirect_dma source(%dma_start3A_200 : memref<16777216xf32, #tpu.memory_space<hbm>>) target(%dma_start3A_195 : memref<512xf32, #tpu.memory_space<vmem>>) offsets(%dma_start3A_198 : memref<512xi32, #tpu.memory_space<vmem>>) semaphore(%arg18 : memref<!tpu.dma_semaphore, #tpu.memory_space<semaphore_mem>>)
    %dma_start3A_201 = arith.constant 9 : i32
    %dma_start3A_202 = arith.constant 9 : i32
    %dma_start3A_203 = arith.constant 0 : i32
    %dma_start3A_204 = tpu.memref_slice %arg14[%dma_start3A_202, %dma_start3A_203] : memref<16x512xf32, #tpu.memory_space<vmem>> -> memref<1x512xf32, #tpu.memory_space<vmem>>
    %dma_start3A_205 = tpu.memref_squeeze %dma_start3A_204 : memref<1x512xf32, #tpu.memory_space<vmem>> -> memref<512xf32, #tpu.memory_space<vmem>>
    %dma_start3A_206 = arith.constant 0 : i32
    %dma_start3A_207 = tpu.memref_slice %arg12[%dma_start3A_201, %dma_start3A_206] : memref<16x512xi32, #tpu.memory_space<vmem>> -> memref<1x512xi32, #tpu.memory_space<vmem>>
    %dma_start3A_208 = tpu.memref_squeeze %dma_start3A_207 : memref<1x512xi32, #tpu.memory_space<vmem>> -> memref<512xi32, #tpu.memory_space<vmem>>
    %dma_start3A_209 = arith.constant 0 : i32
    %dma_start3A_210 = tpu.memref_slice %arg5[%dma_start3A_209] : memref<16777216xf32, #tpu.memory_space<hbm>> -> memref<16777216xf32, #tpu.memory_space<hbm>>
    tpu.enqueue_indirect_dma source(%dma_start3A_210 : memref<16777216xf32, #tpu.memory_space<hbm>>) target(%dma_start3A_205 : memref<512xf32, #tpu.memory_space<vmem>>) offsets(%dma_start3A_208 : memref<512xi32, #tpu.memory_space<vmem>>) semaphore(%arg18 : memref<!tpu.dma_semaphore, #tpu.memory_space<semaphore_mem>>)
    %dma_start3A_211 = arith.constant 10 : i32
    %dma_start3A_212 = arith.constant 10 : i32
    %dma_start3A_213 = arith.constant 0 : i32
    %dma_start3A_214 = tpu.memref_slice %arg13[%dma_start3A_212, %dma_start3A_213] : memref<16x512xf32, #tpu.memory_space<vmem>> -> memref<1x512xf32, #tpu.memory_space<vmem>>
    %dma_start3A_215 = tpu.memref_squeeze %dma_start3A_214 : memref<1x512xf32, #tpu.memory_space<vmem>> -> memref<512xf32, #tpu.memory_space<vmem>>
    %dma_start3A_216 = arith.constant 0 : i32
    %dma_start3A_217 = tpu.memref_slice %arg11[%dma_start3A_211, %dma_start3A_216] : memref<16x512xi32, #tpu.memory_space<vmem>> -> memref<1x512xi32, #tpu.memory_space<vmem>>
    %dma_start3A_218 = tpu.memref_squeeze %dma_start3A_217 : memref<1x512xi32, #tpu.memory_space<vmem>> -> memref<512xi32, #tpu.memory_space<vmem>>
    %dma_start3A_219 = arith.constant 0 : i32
    %dma_start3A_220 = tpu.memref_slice %arg4[%dma_start3A_219] : memref<16777216xf32, #tpu.memory_space<hbm>> -> memref<16777216xf32, #tpu.memory_space<hbm>>
    tpu.enqueue_indirect_dma source(%dma_start3A_220 : memref<16777216xf32, #tpu.memory_space<hbm>>) target(%dma_start3A_215 : memref<512xf32, #tpu.memory_space<vmem>>) offsets(%dma_start3A_218 : memref<512xi32, #tpu.memory_space<vmem>>) semaphore(%arg18 : memref<!tpu.dma_semaphore, #tpu.memory_space<semaphore_mem>>)
    %dma_start3A_221 = arith.constant 10 : i32
    %dma_start3A_222 = arith.constant 10 : i32
    %dma_start3A_223 = arith.constant 0 : i32
    %dma_start3A_224 = tpu.memref_slice %arg14[%dma_start3A_222, %dma_start3A_223] : memref<16x512xf32, #tpu.memory_space<vmem>> -> memref<1x512xf32, #tpu.memory_space<vmem>>
    %dma_start3A_225 = tpu.memref_squeeze %dma_start3A_224 : memref<1x512xf32, #tpu.memory_space<vmem>> -> memref<512xf32, #tpu.memory_space<vmem>>
    %dma_start3A_226 = arith.constant 0 : i32
    %dma_start3A_227 = tpu.memref_slice %arg12[%dma_start3A_221, %dma_start3A_226] : memref<16x512xi32, #tpu.memory_space<vmem>> -> memref<1x512xi32, #tpu.memory_space<vmem>>
    %dma_start3A_228 = tpu.memref_squeeze %dma_start3A_227 : memref<1x512xi32, #tpu.memory_space<vmem>> -> memref<512xi32, #tpu.memory_space<vmem>>
    %dma_start3A_229 = arith.constant 0 : i32
    %dma_start3A_230 = tpu.memref_slice %arg5[%dma_start3A_229] : memref<16777216xf32, #tpu.memory_space<hbm>> -> memref<16777216xf32, #tpu.memory_space<hbm>>
    tpu.enqueue_indirect_dma source(%dma_start3A_230 : memref<16777216xf32, #tpu.memory_space<hbm>>) target(%dma_start3A_225 : memref<512xf32, #tpu.memory_space<vmem>>) offsets(%dma_start3A_228 : memref<512xi32, #tpu.memory_space<vmem>>) semaphore(%arg18 : memref<!tpu.dma_semaphore, #tpu.memory_space<semaphore_mem>>)
    %dma_start3A_231 = arith.constant 11 : i32
    %dma_start3A_232 = arith.constant 11 : i32
    %dma_start3A_233 = arith.constant 0 : i32
    %dma_start3A_234 = tpu.memref_slice %arg13[%dma_start3A_232, %dma_start3A_233] : memref<16x512xf32, #tpu.memory_space<vmem>> -> memref<1x512xf32, #tpu.memory_space<vmem>>
    %dma_start3A_235 = tpu.memref_squeeze %dma_start3A_234 : memref<1x512xf32, #tpu.memory_space<vmem>> -> memref<512xf32, #tpu.memory_space<vmem>>
    %dma_start3A_236 = arith.constant 0 : i32
    %dma_start3A_237 = tpu.memref_slice %arg11[%dma_start3A_231, %dma_start3A_236] : memref<16x512xi32, #tpu.memory_space<vmem>> -> memref<1x512xi32, #tpu.memory_space<vmem>>
    %dma_start3A_238 = tpu.memref_squeeze %dma_start3A_237 : memref<1x512xi32, #tpu.memory_space<vmem>> -> memref<512xi32, #tpu.memory_space<vmem>>
    %dma_start3A_239 = arith.constant 0 : i32
    %dma_start3A_240 = tpu.memref_slice %arg4[%dma_start3A_239] : memref<16777216xf32, #tpu.memory_space<hbm>> -> memref<16777216xf32, #tpu.memory_space<hbm>>
    tpu.enqueue_indirect_dma source(%dma_start3A_240 : memref<16777216xf32, #tpu.memory_space<hbm>>) target(%dma_start3A_235 : memref<512xf32, #tpu.memory_space<vmem>>) offsets(%dma_start3A_238 : memref<512xi32, #tpu.memory_space<vmem>>) semaphore(%arg18 : memref<!tpu.dma_semaphore, #tpu.memory_space<semaphore_mem>>)
    %dma_start3A_241 = arith.constant 11 : i32
    %dma_start3A_242 = arith.constant 11 : i32
    %dma_start3A_243 = arith.constant 0 : i32
    %dma_start3A_244 = tpu.memref_slice %arg14[%dma_start3A_242, %dma_start3A_243] : memref<16x512xf32, #tpu.memory_space<vmem>> -> memref<1x512xf32, #tpu.memory_space<vmem>>
    %dma_start3A_245 = tpu.memref_squeeze %dma_start3A_244 : memref<1x512xf32, #tpu.memory_space<vmem>> -> memref<512xf32, #tpu.memory_space<vmem>>
    %dma_start3A_246 = arith.constant 0 : i32
    %dma_start3A_247 = tpu.memref_slice %arg12[%dma_start3A_241, %dma_start3A_246] : memref<16x512xi32, #tpu.memory_space<vmem>> -> memref<1x512xi32, #tpu.memory_space<vmem>>
    %dma_start3A_248 = tpu.memref_squeeze %dma_start3A_247 : memref<1x512xi32, #tpu.memory_space<vmem>> -> memref<512xi32, #tpu.memory_space<vmem>>
    %dma_start3A_249 = arith.constant 0 : i32
    %dma_start3A_250 = tpu.memref_slice %arg5[%dma_start3A_249] : memref<16777216xf32, #tpu.memory_space<hbm>> -> memref<16777216xf32, #tpu.memory_space<hbm>>
    tpu.enqueue_indirect_dma source(%dma_start3A_250 : memref<16777216xf32, #tpu.memory_space<hbm>>) target(%dma_start3A_245 : memref<512xf32, #tpu.memory_space<vmem>>) offsets(%dma_start3A_248 : memref<512xi32, #tpu.memory_space<vmem>>) semaphore(%arg18 : memref<!tpu.dma_semaphore, #tpu.memory_space<semaphore_mem>>)
    %dma_start3A_251 = arith.constant 12 : i32
    %dma_start3A_252 = arith.constant 12 : i32
    %dma_start3A_253 = arith.constant 0 : i32
    %dma_start3A_254 = tpu.memref_slice %arg13[%dma_start3A_252, %dma_start3A_253] : memref<16x512xf32, #tpu.memory_space<vmem>> -> memref<1x512xf32, #tpu.memory_space<vmem>>
    %dma_start3A_255 = tpu.memref_squeeze %dma_start3A_254 : memref<1x512xf32, #tpu.memory_space<vmem>> -> memref<512xf32, #tpu.memory_space<vmem>>
    %dma_start3A_256 = arith.constant 0 : i32
    %dma_start3A_257 = tpu.memref_slice %arg11[%dma_start3A_251, %dma_start3A_256] : memref<16x512xi32, #tpu.memory_space<vmem>> -> memref<1x512xi32, #tpu.memory_space<vmem>>
    %dma_start3A_258 = tpu.memref_squeeze %dma_start3A_257 : memref<1x512xi32, #tpu.memory_space<vmem>> -> memref<512xi32, #tpu.memory_space<vmem>>
    %dma_start3A_259 = arith.constant 0 : i32
    %dma_start3A_260 = tpu.memref_slice %arg4[%dma_start3A_259] : memref<16777216xf32, #tpu.memory_space<hbm>> -> memref<16777216xf32, #tpu.memory_space<hbm>>
    tpu.enqueue_indirect_dma source(%dma_start3A_260 : memref<16777216xf32, #tpu.memory_space<hbm>>) target(%dma_start3A_255 : memref<512xf32, #tpu.memory_space<vmem>>) offsets(%dma_start3A_258 : memref<512xi32, #tpu.memory_space<vmem>>) semaphore(%arg18 : memref<!tpu.dma_semaphore, #tpu.memory_space<semaphore_mem>>)
    %dma_start3A_261 = arith.constant 12 : i32
    %dma_start3A_262 = arith.constant 12 : i32
    %dma_start3A_263 = arith.constant 0 : i32
    %dma_start3A_264 = tpu.memref_slice %arg14[%dma_start3A_262, %dma_start3A_263] : memref<16x512xf32, #tpu.memory_space<vmem>> -> memref<1x512xf32, #tpu.memory_space<vmem>>
    %dma_start3A_265 = tpu.memref_squeeze %dma_start3A_264 : memref<1x512xf32, #tpu.memory_space<vmem>> -> memref<512xf32, #tpu.memory_space<vmem>>
    %dma_start3A_266 = arith.constant 0 : i32
    %dma_start3A_267 = tpu.memref_slice %arg12[%dma_start3A_261, %dma_start3A_266] : memref<16x512xi32, #tpu.memory_space<vmem>> -> memref<1x512xi32, #tpu.memory_space<vmem>>
    %dma_start3A_268 = tpu.memref_squeeze %dma_start3A_267 : memref<1x512xi32, #tpu.memory_space<vmem>> -> memref<512xi32, #tpu.memory_space<vmem>>
    %dma_start3A_269 = arith.constant 0 : i32
    %dma_start3A_270 = tpu.memref_slice %arg5[%dma_start3A_269] : memref<16777216xf32, #tpu.memory_space<hbm>> -> memref<16777216xf32, #tpu.memory_space<hbm>>
    tpu.enqueue_indirect_dma source(%dma_start3A_270 : memref<16777216xf32, #tpu.memory_space<hbm>>) target(%dma_start3A_265 : memref<512xf32, #tpu.memory_space<vmem>>) offsets(%dma_start3A_268 : memref<512xi32, #tpu.memory_space<vmem>>) semaphore(%arg18 : memref<!tpu.dma_semaphore, #tpu.memory_space<semaphore_mem>>)
    %dma_start3A_271 = arith.constant 13 : i32
    %dma_start3A_272 = arith.constant 13 : i32
    %dma_start3A_273 = arith.constant 0 : i32
    %dma_start3A_274 = tpu.memref_slice %arg13[%dma_start3A_272, %dma_start3A_273] : memref<16x512xf32, #tpu.memory_space<vmem>> -> memref<1x512xf32, #tpu.memory_space<vmem>>
    %dma_start3A_275 = tpu.memref_squeeze %dma_start3A_274 : memref<1x512xf32, #tpu.memory_space<vmem>> -> memref<512xf32, #tpu.memory_space<vmem>>
    %dma_start3A_276 = arith.constant 0 : i32
    %dma_start3A_277 = tpu.memref_slice %arg11[%dma_start3A_271, %dma_start3A_276] : memref<16x512xi32, #tpu.memory_space<vmem>> -> memref<1x512xi32, #tpu.memory_space<vmem>>
    %dma_start3A_278 = tpu.memref_squeeze %dma_start3A_277 : memref<1x512xi32, #tpu.memory_space<vmem>> -> memref<512xi32, #tpu.memory_space<vmem>>
    %dma_start3A_279 = arith.constant 0 : i32
    %dma_start3A_280 = tpu.memref_slice %arg4[%dma_start3A_279] : memref<16777216xf32, #tpu.memory_space<hbm>> -> memref<16777216xf32, #tpu.memory_space<hbm>>
    tpu.enqueue_indirect_dma source(%dma_start3A_280 : memref<16777216xf32, #tpu.memory_space<hbm>>) target(%dma_start3A_275 : memref<512xf32, #tpu.memory_space<vmem>>) offsets(%dma_start3A_278 : memref<512xi32, #tpu.memory_space<vmem>>) semaphore(%arg18 : memref<!tpu.dma_semaphore, #tpu.memory_space<semaphore_mem>>)
    %dma_start3A_281 = arith.constant 13 : i32
    %dma_start3A_282 = arith.constant 13 : i32
    %dma_start3A_283 = arith.constant 0 : i32
    %dma_start3A_284 = tpu.memref_slice %arg14[%dma_start3A_282, %dma_start3A_283] : memref<16x512xf32, #tpu.memory_space<vmem>> -> memref<1x512xf32, #tpu.memory_space<vmem>>
    %dma_start3A_285 = tpu.memref_squeeze %dma_start3A_284 : memref<1x512xf32, #tpu.memory_space<vmem>> -> memref<512xf32, #tpu.memory_space<vmem>>
    %dma_start3A_286 = arith.constant 0 : i32
    %dma_start3A_287 = tpu.memref_slice %arg12[%dma_start3A_281, %dma_start3A_286] : memref<16x512xi32, #tpu.memory_space<vmem>> -> memref<1x512xi32, #tpu.memory_space<vmem>>
    %dma_start3A_288 = tpu.memref_squeeze %dma_start3A_287 : memref<1x512xi32, #tpu.memory_space<vmem>> -> memref<512xi32, #tpu.memory_space<vmem>>
    %dma_start3A_289 = arith.constant 0 : i32
    %dma_start3A_290 = tpu.memref_slice %arg5[%dma_start3A_289] : memref<16777216xf32, #tpu.memory_space<hbm>> -> memref<16777216xf32, #tpu.memory_space<hbm>>
    tpu.enqueue_indirect_dma source(%dma_start3A_290 : memref<16777216xf32, #tpu.memory_space<hbm>>) target(%dma_start3A_285 : memref<512xf32, #tpu.memory_space<vmem>>) offsets(%dma_start3A_288 : memref<512xi32, #tpu.memory_space<vmem>>) semaphore(%arg18 : memref<!tpu.dma_semaphore, #tpu.memory_space<semaphore_mem>>)
    %dma_start3A_291 = arith.constant 14 : i32
    %dma_start3A_292 = arith.constant 14 : i32
    %dma_start3A_293 = arith.constant 0 : i32
    %dma_start3A_294 = tpu.memref_slice %arg13[%dma_start3A_292, %dma_start3A_293] : memref<16x512xf32, #tpu.memory_space<vmem>> -> memref<1x512xf32, #tpu.memory_space<vmem>>
    %dma_start3A_295 = tpu.memref_squeeze %dma_start3A_294 : memref<1x512xf32, #tpu.memory_space<vmem>> -> memref<512xf32, #tpu.memory_space<vmem>>
    %dma_start3A_296 = arith.constant 0 : i32
    %dma_start3A_297 = tpu.memref_slice %arg11[%dma_start3A_291, %dma_start3A_296] : memref<16x512xi32, #tpu.memory_space<vmem>> -> memref<1x512xi32, #tpu.memory_space<vmem>>
    %dma_start3A_298 = tpu.memref_squeeze %dma_start3A_297 : memref<1x512xi32, #tpu.memory_space<vmem>> -> memref<512xi32, #tpu.memory_space<vmem>>
    %dma_start3A_299 = arith.constant 0 : i32
    %dma_start3A_300 = tpu.memref_slice %arg4[%dma_start3A_299] : memref<16777216xf32, #tpu.memory_space<hbm>> -> memref<16777216xf32, #tpu.memory_space<hbm>>
    tpu.enqueue_indirect_dma source(%dma_start3A_300 : memref<16777216xf32, #tpu.memory_space<hbm>>) target(%dma_start3A_295 : memref<512xf32, #tpu.memory_space<vmem>>) offsets(%dma_start3A_298 : memref<512xi32, #tpu.memory_space<vmem>>) semaphore(%arg18 : memref<!tpu.dma_semaphore, #tpu.memory_space<semaphore_mem>>)
    %dma_start3A_301 = arith.constant 14 : i32
    %dma_start3A_302 = arith.constant 14 : i32
    %dma_start3A_303 = arith.constant 0 : i32
    %dma_start3A_304 = tpu.memref_slice %arg14[%dma_start3A_302, %dma_start3A_303] : memref<16x512xf32, #tpu.memory_space<vmem>> -> memref<1x512xf32, #tpu.memory_space<vmem>>
    %dma_start3A_305 = tpu.memref_squeeze %dma_start3A_304 : memref<1x512xf32, #tpu.memory_space<vmem>> -> memref<512xf32, #tpu.memory_space<vmem>>
    %dma_start3A_306 = arith.constant 0 : i32
    %dma_start3A_307 = tpu.memref_slice %arg12[%dma_start3A_301, %dma_start3A_306] : memref<16x512xi32, #tpu.memory_space<vmem>> -> memref<1x512xi32, #tpu.memory_space<vmem>>
    %dma_start3A_308 = tpu.memref_squeeze %dma_start3A_307 : memref<1x512xi32, #tpu.memory_space<vmem>> -> memref<512xi32, #tpu.memory_space<vmem>>
    %dma_start3A_309 = arith.constant 0 : i32
    %dma_start3A_310 = tpu.memref_slice %arg5[%dma_start3A_309] : memref<16777216xf32, #tpu.memory_space<hbm>> -> memref<16777216xf32, #tpu.memory_space<hbm>>
    tpu.enqueue_indirect_dma source(%dma_start3A_310 : memref<16777216xf32, #tpu.memory_space<hbm>>) target(%dma_start3A_305 : memref<512xf32, #tpu.memory_space<vmem>>) offsets(%dma_start3A_308 : memref<512xi32, #tpu.memory_space<vmem>>) semaphore(%arg18 : memref<!tpu.dma_semaphore, #tpu.memory_space<semaphore_mem>>)
    %dma_start3A_311 = arith.constant 15 : i32
    %dma_start3A_312 = arith.constant 15 : i32
    %dma_start3A_313 = arith.constant 0 : i32
    %dma_start3A_314 = tpu.memref_slice %arg13[%dma_start3A_312, %dma_start3A_313] : memref<16x512xf32, #tpu.memory_space<vmem>> -> memref<1x512xf32, #tpu.memory_space<vmem>>
    %dma_start3A_315 = tpu.memref_squeeze %dma_start3A_314 : memref<1x512xf32, #tpu.memory_space<vmem>> -> memref<512xf32, #tpu.memory_space<vmem>>
    %dma_start3A_316 = arith.constant 0 : i32
    %dma_start3A_317 = tpu.memref_slice %arg11[%dma_start3A_311, %dma_start3A_316] : memref<16x512xi32, #tpu.memory_space<vmem>> -> memref<1x512xi32, #tpu.memory_space<vmem>>
    %dma_start3A_318 = tpu.memref_squeeze %dma_start3A_317 : memref<1x512xi32, #tpu.memory_space<vmem>> -> memref<512xi32, #tpu.memory_space<vmem>>
    %dma_start3A_319 = arith.constant 0 : i32
    %dma_start3A_320 = tpu.memref_slice %arg4[%dma_start3A_319] : memref<16777216xf32, #tpu.memory_space<hbm>> -> memref<16777216xf32, #tpu.memory_space<hbm>>
    tpu.enqueue_indirect_dma source(%dma_start3A_320 : memref<16777216xf32, #tpu.memory_space<hbm>>) target(%dma_start3A_315 : memref<512xf32, #tpu.memory_space<vmem>>) offsets(%dma_start3A_318 : memref<512xi32, #tpu.memory_space<vmem>>) semaphore(%arg18 : memref<!tpu.dma_semaphore, #tpu.memory_space<semaphore_mem>>)
    %dma_start3A_321 = arith.constant 15 : i32
    %dma_start3A_322 = arith.constant 15 : i32
    %dma_start3A_323 = arith.constant 0 : i32
    %dma_start3A_324 = tpu.memref_slice %arg14[%dma_start3A_322, %dma_start3A_323] : memref<16x512xf32, #tpu.memory_space<vmem>> -> memref<1x512xf32, #tpu.memory_space<vmem>>
    %dma_start3A_325 = tpu.memref_squeeze %dma_start3A_324 : memref<1x512xf32, #tpu.memory_space<vmem>> -> memref<512xf32, #tpu.memory_space<vmem>>
    %dma_start3A_326 = arith.constant 0 : i32
    %dma_start3A_327 = tpu.memref_slice %arg12[%dma_start3A_321, %dma_start3A_326] : memref<16x512xi32, #tpu.memory_space<vmem>> -> memref<1x512xi32, #tpu.memory_space<vmem>>
    %dma_start3A_328 = tpu.memref_squeeze %dma_start3A_327 : memref<1x512xi32, #tpu.memory_space<vmem>> -> memref<512xi32, #tpu.memory_space<vmem>>
    %dma_start3A_329 = arith.constant 0 : i32
    %dma_start3A_330 = tpu.memref_slice %arg5[%dma_start3A_329] : memref<16777216xf32, #tpu.memory_space<hbm>> -> memref<16777216xf32, #tpu.memory_space<hbm>>
    tpu.enqueue_indirect_dma source(%dma_start3A_330 : memref<16777216xf32, #tpu.memory_space<hbm>>) target(%dma_start3A_325 : memref<512xf32, #tpu.memory_space<vmem>>) offsets(%dma_start3A_328 : memref<512xi32, #tpu.memory_space<vmem>>) semaphore(%arg18 : memref<!tpu.dma_semaphore, #tpu.memory_space<semaphore_mem>>)
    %dma_wait3A = arith.constant 0 : i32
    %dma_wait3A_331 = tpu.memref_slice %arg6[%dma_wait3A] : memref<1000000xf32, #tpu.memory_space<hbm>> -> memref<1000000xf32, #tpu.memory_space<hbm>>
    tpu.wait_indirect_dma semaphore(%arg18 : memref<!tpu.dma_semaphore, #tpu.memory_space<semaphore_mem>>) src(%dma_wait3A_331 : memref<1000000xf32, #tpu.memory_space<hbm>>) dst(%arg15 : memref<512xf32, #tpu.memory_space<vmem>>)
    %dma_wait3A_332 = arith.constant 0 : i32
    %dma_wait3A_333 = tpu.memref_slice %arg7[%dma_wait3A_332] : memref<1000000xf32, #tpu.memory_space<hbm>> -> memref<1000000xf32, #tpu.memory_space<hbm>>
    tpu.wait_indirect_dma semaphore(%arg18 : memref<!tpu.dma_semaphore, #tpu.memory_space<semaphore_mem>>) src(%dma_wait3A_333 : memref<1000000xf32, #tpu.memory_space<hbm>>) dst(%arg16 : memref<512xf32, #tpu.memory_space<vmem>>)
    %dma_wait3A_334 = arith.constant 0 : i32
    %dma_wait3A_335 = arith.constant 0 : i32
    %dma_wait3A_336 = arith.constant 0 : i32
    %dma_wait3A_337 = tpu.memref_slice %arg13[%dma_wait3A_335, %dma_wait3A_336] : memref<16x512xf32, #tpu.memory_space<vmem>> -> memref<1x512xf32, #tpu.memory_space<vmem>>
    %dma_wait3A_338 = tpu.memref_squeeze %dma_wait3A_337 : memref<1x512xf32, #tpu.memory_space<vmem>> -> memref<512xf32, #tpu.memory_space<vmem>>
    %dma_wait3A_339 = arith.constant 0 : i32
    %dma_wait3A_340 = tpu.memref_slice %arg11[%dma_wait3A_334, %dma_wait3A_339] : memref<16x512xi32, #tpu.memory_space<vmem>> -> memref<1x512xi32, #tpu.memory_space<vmem>>
    %dma_wait3A_341 = tpu.memref_squeeze %dma_wait3A_340 : memref<1x512xi32, #tpu.memory_space<vmem>> -> memref<512xi32, #tpu.memory_space<vmem>>
    %dma_wait3A_342 = arith.constant 0 : i32
    %dma_wait3A_343 = tpu.memref_slice %arg4[%dma_wait3A_342] : memref<16777216xf32, #tpu.memory_space<hbm>> -> memref<16777216xf32, #tpu.memory_space<hbm>>
    tpu.wait_indirect_dma semaphore(%arg18 : memref<!tpu.dma_semaphore, #tpu.memory_space<semaphore_mem>>) src(%dma_wait3A_343 : memref<16777216xf32, #tpu.memory_space<hbm>>) dst(%dma_wait3A_338 : memref<512xf32, #tpu.memory_space<vmem>>)
    %dma_wait3A_344 = arith.constant 0 : i32
    %dma_wait3A_345 = arith.constant 0 : i32
    %dma_wait3A_346 = arith.constant 0 : i32
    %dma_wait3A_347 = tpu.memref_slice %arg14[%dma_wait3A_345, %dma_wait3A_346] : memref<16x512xf32, #tpu.memory_space<vmem>> -> memref<1x512xf32, #tpu.memory_space<vmem>>
    %dma_wait3A_348 = tpu.memref_squeeze %dma_wait3A_347 : memref<1x512xf32, #tpu.memory_space<vmem>> -> memref<512xf32, #tpu.memory_space<vmem>>
    %dma_wait3A_349 = arith.constant 0 : i32
    %dma_wait3A_350 = tpu.memref_slice %arg12[%dma_wait3A_344, %dma_wait3A_349] : memref<16x512xi32, #tpu.memory_space<vmem>> -> memref<1x512xi32, #tpu.memory_space<vmem>>
    %dma_wait3A_351 = tpu.memref_squeeze %dma_wait3A_350 : memref<1x512xi32, #tpu.memory_space<vmem>> -> memref<512xi32, #tpu.memory_space<vmem>>
    %dma_wait3A_352 = arith.constant 0 : i32
    %dma_wait3A_353 = tpu.memref_slice %arg5[%dma_wait3A_352] : memref<16777216xf32, #tpu.memory_space<hbm>> -> memref<16777216xf32, #tpu.memory_space<hbm>>
    tpu.wait_indirect_dma semaphore(%arg18 : memref<!tpu.dma_semaphore, #tpu.memory_space<semaphore_mem>>) src(%dma_wait3A_353 : memref<16777216xf32, #tpu.memory_space<hbm>>) dst(%dma_wait3A_348 : memref<512xf32, #tpu.memory_space<vmem>>)
    %dma_wait3A_354 = arith.constant 1 : i32
    %dma_wait3A_355 = arith.constant 1 : i32
    %dma_wait3A_356 = arith.constant 0 : i32
    %dma_wait3A_357 = tpu.memref_slice %arg13[%dma_wait3A_355, %dma_wait3A_356] : memref<16x512xf32, #tpu.memory_space<vmem>> -> memref<1x512xf32, #tpu.memory_space<vmem>>
    %dma_wait3A_358 = tpu.memref_squeeze %dma_wait3A_357 : memref<1x512xf32, #tpu.memory_space<vmem>> -> memref<512xf32, #tpu.memory_space<vmem>>
    %dma_wait3A_359 = arith.constant 0 : i32
    %dma_wait3A_360 = tpu.memref_slice %arg11[%dma_wait3A_354, %dma_wait3A_359] : memref<16x512xi32, #tpu.memory_space<vmem>> -> memref<1x512xi32, #tpu.memory_space<vmem>>
    %dma_wait3A_361 = tpu.memref_squeeze %dma_wait3A_360 : memref<1x512xi32, #tpu.memory_space<vmem>> -> memref<512xi32, #tpu.memory_space<vmem>>
    %dma_wait3A_362 = arith.constant 0 : i32
    %dma_wait3A_363 = tpu.memref_slice %arg4[%dma_wait3A_362] : memref<16777216xf32, #tpu.memory_space<hbm>> -> memref<16777216xf32, #tpu.memory_space<hbm>>
    tpu.wait_indirect_dma semaphore(%arg18 : memref<!tpu.dma_semaphore, #tpu.memory_space<semaphore_mem>>) src(%dma_wait3A_363 : memref<16777216xf32, #tpu.memory_space<hbm>>) dst(%dma_wait3A_358 : memref<512xf32, #tpu.memory_space<vmem>>)
    %dma_wait3A_364 = arith.constant 1 : i32
    %dma_wait3A_365 = arith.constant 1 : i32
    %dma_wait3A_366 = arith.constant 0 : i32
    %dma_wait3A_367 = tpu.memref_slice %arg14[%dma_wait3A_365, %dma_wait3A_366] : memref<16x512xf32, #tpu.memory_space<vmem>> -> memref<1x512xf32, #tpu.memory_space<vmem>>
    %dma_wait3A_368 = tpu.memref_squeeze %dma_wait3A_367 : memref<1x512xf32, #tpu.memory_space<vmem>> -> memref<512xf32, #tpu.memory_space<vmem>>
    %dma_wait3A_369 = arith.constant 0 : i32
    %dma_wait3A_370 = tpu.memref_slice %arg12[%dma_wait3A_364, %dma_wait3A_369] : memref<16x512xi32, #tpu.memory_space<vmem>> -> memref<1x512xi32, #tpu.memory_space<vmem>>
    %dma_wait3A_371 = tpu.memref_squeeze %dma_wait3A_370 : memref<1x512xi32, #tpu.memory_space<vmem>> -> memref<512xi32, #tpu.memory_space<vmem>>
    %dma_wait3A_372 = arith.constant 0 : i32
    %dma_wait3A_373 = tpu.memref_slice %arg5[%dma_wait3A_372] : memref<16777216xf32, #tpu.memory_space<hbm>> -> memref<16777216xf32, #tpu.memory_space<hbm>>
    tpu.wait_indirect_dma semaphore(%arg18 : memref<!tpu.dma_semaphore, #tpu.memory_space<semaphore_mem>>) src(%dma_wait3A_373 : memref<16777216xf32, #tpu.memory_space<hbm>>) dst(%dma_wait3A_368 : memref<512xf32, #tpu.memory_space<vmem>>)
    %dma_wait3A_374 = arith.constant 2 : i32
    %dma_wait3A_375 = arith.constant 2 : i32
    %dma_wait3A_376 = arith.constant 0 : i32
    %dma_wait3A_377 = tpu.memref_slice %arg13[%dma_wait3A_375, %dma_wait3A_376] : memref<16x512xf32, #tpu.memory_space<vmem>> -> memref<1x512xf32, #tpu.memory_space<vmem>>
    %dma_wait3A_378 = tpu.memref_squeeze %dma_wait3A_377 : memref<1x512xf32, #tpu.memory_space<vmem>> -> memref<512xf32, #tpu.memory_space<vmem>>
    %dma_wait3A_379 = arith.constant 0 : i32
    %dma_wait3A_380 = tpu.memref_slice %arg11[%dma_wait3A_374, %dma_wait3A_379] : memref<16x512xi32, #tpu.memory_space<vmem>> -> memref<1x512xi32, #tpu.memory_space<vmem>>
    %dma_wait3A_381 = tpu.memref_squeeze %dma_wait3A_380 : memref<1x512xi32, #tpu.memory_space<vmem>> -> memref<512xi32, #tpu.memory_space<vmem>>
    %dma_wait3A_382 = arith.constant 0 : i32
    %dma_wait3A_383 = tpu.memref_slice %arg4[%dma_wait3A_382] : memref<16777216xf32, #tpu.memory_space<hbm>> -> memref<16777216xf32, #tpu.memory_space<hbm>>
    tpu.wait_indirect_dma semaphore(%arg18 : memref<!tpu.dma_semaphore, #tpu.memory_space<semaphore_mem>>) src(%dma_wait3A_383 : memref<16777216xf32, #tpu.memory_space<hbm>>) dst(%dma_wait3A_378 : memref<512xf32, #tpu.memory_space<vmem>>)
    %dma_wait3A_384 = arith.constant 2 : i32
    %dma_wait3A_385 = arith.constant 2 : i32
    %dma_wait3A_386 = arith.constant 0 : i32
    %dma_wait3A_387 = tpu.memref_slice %arg14[%dma_wait3A_385, %dma_wait3A_386] : memref<16x512xf32, #tpu.memory_space<vmem>> -> memref<1x512xf32, #tpu.memory_space<vmem>>
    %dma_wait3A_388 = tpu.memref_squeeze %dma_wait3A_387 : memref<1x512xf32, #tpu.memory_space<vmem>> -> memref<512xf32, #tpu.memory_space<vmem>>
    %dma_wait3A_389 = arith.constant 0 : i32
    %dma_wait3A_390 = tpu.memref_slice %arg12[%dma_wait3A_384, %dma_wait3A_389] : memref<16x512xi32, #tpu.memory_space<vmem>> -> memref<1x512xi32, #tpu.memory_space<vmem>>
    %dma_wait3A_391 = tpu.memref_squeeze %dma_wait3A_390 : memref<1x512xi32, #tpu.memory_space<vmem>> -> memref<512xi32, #tpu.memory_space<vmem>>
    %dma_wait3A_392 = arith.constant 0 : i32
    %dma_wait3A_393 = tpu.memref_slice %arg5[%dma_wait3A_392] : memref<16777216xf32, #tpu.memory_space<hbm>> -> memref<16777216xf32, #tpu.memory_space<hbm>>
    tpu.wait_indirect_dma semaphore(%arg18 : memref<!tpu.dma_semaphore, #tpu.memory_space<semaphore_mem>>) src(%dma_wait3A_393 : memref<16777216xf32, #tpu.memory_space<hbm>>) dst(%dma_wait3A_388 : memref<512xf32, #tpu.memory_space<vmem>>)
    %dma_wait3A_394 = arith.constant 3 : i32
    %dma_wait3A_395 = arith.constant 3 : i32
    %dma_wait3A_396 = arith.constant 0 : i32
    %dma_wait3A_397 = tpu.memref_slice %arg13[%dma_wait3A_395, %dma_wait3A_396] : memref<16x512xf32, #tpu.memory_space<vmem>> -> memref<1x512xf32, #tpu.memory_space<vmem>>
    %dma_wait3A_398 = tpu.memref_squeeze %dma_wait3A_397 : memref<1x512xf32, #tpu.memory_space<vmem>> -> memref<512xf32, #tpu.memory_space<vmem>>
    %dma_wait3A_399 = arith.constant 0 : i32
    %dma_wait3A_400 = tpu.memref_slice %arg11[%dma_wait3A_394, %dma_wait3A_399] : memref<16x512xi32, #tpu.memory_space<vmem>> -> memref<1x512xi32, #tpu.memory_space<vmem>>
    %dma_wait3A_401 = tpu.memref_squeeze %dma_wait3A_400 : memref<1x512xi32, #tpu.memory_space<vmem>> -> memref<512xi32, #tpu.memory_space<vmem>>
    %dma_wait3A_402 = arith.constant 0 : i32
    %dma_wait3A_403 = tpu.memref_slice %arg4[%dma_wait3A_402] : memref<16777216xf32, #tpu.memory_space<hbm>> -> memref<16777216xf32, #tpu.memory_space<hbm>>
    tpu.wait_indirect_dma semaphore(%arg18 : memref<!tpu.dma_semaphore, #tpu.memory_space<semaphore_mem>>) src(%dma_wait3A_403 : memref<16777216xf32, #tpu.memory_space<hbm>>) dst(%dma_wait3A_398 : memref<512xf32, #tpu.memory_space<vmem>>)
    %dma_wait3A_404 = arith.constant 3 : i32
    %dma_wait3A_405 = arith.constant 3 : i32
    %dma_wait3A_406 = arith.constant 0 : i32
    %dma_wait3A_407 = tpu.memref_slice %arg14[%dma_wait3A_405, %dma_wait3A_406] : memref<16x512xf32, #tpu.memory_space<vmem>> -> memref<1x512xf32, #tpu.memory_space<vmem>>
    %dma_wait3A_408 = tpu.memref_squeeze %dma_wait3A_407 : memref<1x512xf32, #tpu.memory_space<vmem>> -> memref<512xf32, #tpu.memory_space<vmem>>
    %dma_wait3A_409 = arith.constant 0 : i32
    %dma_wait3A_410 = tpu.memref_slice %arg12[%dma_wait3A_404, %dma_wait3A_409] : memref<16x512xi32, #tpu.memory_space<vmem>> -> memref<1x512xi32, #tpu.memory_space<vmem>>
    %dma_wait3A_411 = tpu.memref_squeeze %dma_wait3A_410 : memref<1x512xi32, #tpu.memory_space<vmem>> -> memref<512xi32, #tpu.memory_space<vmem>>
    %dma_wait3A_412 = arith.constant 0 : i32
    %dma_wait3A_413 = tpu.memref_slice %arg5[%dma_wait3A_412] : memref<16777216xf32, #tpu.memory_space<hbm>> -> memref<16777216xf32, #tpu.memory_space<hbm>>
    tpu.wait_indirect_dma semaphore(%arg18 : memref<!tpu.dma_semaphore, #tpu.memory_space<semaphore_mem>>) src(%dma_wait3A_413 : memref<16777216xf32, #tpu.memory_space<hbm>>) dst(%dma_wait3A_408 : memref<512xf32, #tpu.memory_space<vmem>>)
    %dma_wait3A_414 = arith.constant 4 : i32
    %dma_wait3A_415 = arith.constant 4 : i32
    %dma_wait3A_416 = arith.constant 0 : i32
    %dma_wait3A_417 = tpu.memref_slice %arg13[%dma_wait3A_415, %dma_wait3A_416] : memref<16x512xf32, #tpu.memory_space<vmem>> -> memref<1x512xf32, #tpu.memory_space<vmem>>
    %dma_wait3A_418 = tpu.memref_squeeze %dma_wait3A_417 : memref<1x512xf32, #tpu.memory_space<vmem>> -> memref<512xf32, #tpu.memory_space<vmem>>
    %dma_wait3A_419 = arith.constant 0 : i32
    %dma_wait3A_420 = tpu.memref_slice %arg11[%dma_wait3A_414, %dma_wait3A_419] : memref<16x512xi32, #tpu.memory_space<vmem>> -> memref<1x512xi32, #tpu.memory_space<vmem>>
    %dma_wait3A_421 = tpu.memref_squeeze %dma_wait3A_420 : memref<1x512xi32, #tpu.memory_space<vmem>> -> memref<512xi32, #tpu.memory_space<vmem>>
    %dma_wait3A_422 = arith.constant 0 : i32
    %dma_wait3A_423 = tpu.memref_slice %arg4[%dma_wait3A_422] : memref<16777216xf32, #tpu.memory_space<hbm>> -> memref<16777216xf32, #tpu.memory_space<hbm>>
    tpu.wait_indirect_dma semaphore(%arg18 : memref<!tpu.dma_semaphore, #tpu.memory_space<semaphore_mem>>) src(%dma_wait3A_423 : memref<16777216xf32, #tpu.memory_space<hbm>>) dst(%dma_wait3A_418 : memref<512xf32, #tpu.memory_space<vmem>>)
    %dma_wait3A_424 = arith.constant 4 : i32
    %dma_wait3A_425 = arith.constant 4 : i32
    %dma_wait3A_426 = arith.constant 0 : i32
    %dma_wait3A_427 = tpu.memref_slice %arg14[%dma_wait3A_425, %dma_wait3A_426] : memref<16x512xf32, #tpu.memory_space<vmem>> -> memref<1x512xf32, #tpu.memory_space<vmem>>
    %dma_wait3A_428 = tpu.memref_squeeze %dma_wait3A_427 : memref<1x512xf32, #tpu.memory_space<vmem>> -> memref<512xf32, #tpu.memory_space<vmem>>
    %dma_wait3A_429 = arith.constant 0 : i32
    %dma_wait3A_430 = tpu.memref_slice %arg12[%dma_wait3A_424, %dma_wait3A_429] : memref<16x512xi32, #tpu.memory_space<vmem>> -> memref<1x512xi32, #tpu.memory_space<vmem>>
    %dma_wait3A_431 = tpu.memref_squeeze %dma_wait3A_430 : memref<1x512xi32, #tpu.memory_space<vmem>> -> memref<512xi32, #tpu.memory_space<vmem>>
    %dma_wait3A_432 = arith.constant 0 : i32
    %dma_wait3A_433 = tpu.memref_slice %arg5[%dma_wait3A_432] : memref<16777216xf32, #tpu.memory_space<hbm>> -> memref<16777216xf32, #tpu.memory_space<hbm>>
    tpu.wait_indirect_dma semaphore(%arg18 : memref<!tpu.dma_semaphore, #tpu.memory_space<semaphore_mem>>) src(%dma_wait3A_433 : memref<16777216xf32, #tpu.memory_space<hbm>>) dst(%dma_wait3A_428 : memref<512xf32, #tpu.memory_space<vmem>>)
    %dma_wait3A_434 = arith.constant 5 : i32
    %dma_wait3A_435 = arith.constant 5 : i32
    %dma_wait3A_436 = arith.constant 0 : i32
    %dma_wait3A_437 = tpu.memref_slice %arg13[%dma_wait3A_435, %dma_wait3A_436] : memref<16x512xf32, #tpu.memory_space<vmem>> -> memref<1x512xf32, #tpu.memory_space<vmem>>
    %dma_wait3A_438 = tpu.memref_squeeze %dma_wait3A_437 : memref<1x512xf32, #tpu.memory_space<vmem>> -> memref<512xf32, #tpu.memory_space<vmem>>
    %dma_wait3A_439 = arith.constant 0 : i32
    %dma_wait3A_440 = tpu.memref_slice %arg11[%dma_wait3A_434, %dma_wait3A_439] : memref<16x512xi32, #tpu.memory_space<vmem>> -> memref<1x512xi32, #tpu.memory_space<vmem>>
    %dma_wait3A_441 = tpu.memref_squeeze %dma_wait3A_440 : memref<1x512xi32, #tpu.memory_space<vmem>> -> memref<512xi32, #tpu.memory_space<vmem>>
    %dma_wait3A_442 = arith.constant 0 : i32
    %dma_wait3A_443 = tpu.memref_slice %arg4[%dma_wait3A_442] : memref<16777216xf32, #tpu.memory_space<hbm>> -> memref<16777216xf32, #tpu.memory_space<hbm>>
    tpu.wait_indirect_dma semaphore(%arg18 : memref<!tpu.dma_semaphore, #tpu.memory_space<semaphore_mem>>) src(%dma_wait3A_443 : memref<16777216xf32, #tpu.memory_space<hbm>>) dst(%dma_wait3A_438 : memref<512xf32, #tpu.memory_space<vmem>>)
    %dma_wait3A_444 = arith.constant 5 : i32
    %dma_wait3A_445 = arith.constant 5 : i32
    %dma_wait3A_446 = arith.constant 0 : i32
    %dma_wait3A_447 = tpu.memref_slice %arg14[%dma_wait3A_445, %dma_wait3A_446] : memref<16x512xf32, #tpu.memory_space<vmem>> -> memref<1x512xf32, #tpu.memory_space<vmem>>
    %dma_wait3A_448 = tpu.memref_squeeze %dma_wait3A_447 : memref<1x512xf32, #tpu.memory_space<vmem>> -> memref<512xf32, #tpu.memory_space<vmem>>
    %dma_wait3A_449 = arith.constant 0 : i32
    %dma_wait3A_450 = tpu.memref_slice %arg12[%dma_wait3A_444, %dma_wait3A_449] : memref<16x512xi32, #tpu.memory_space<vmem>> -> memref<1x512xi32, #tpu.memory_space<vmem>>
    %dma_wait3A_451 = tpu.memref_squeeze %dma_wait3A_450 : memref<1x512xi32, #tpu.memory_space<vmem>> -> memref<512xi32, #tpu.memory_space<vmem>>
    %dma_wait3A_452 = arith.constant 0 : i32
    %dma_wait3A_453 = tpu.memref_slice %arg5[%dma_wait3A_452] : memref<16777216xf32, #tpu.memory_space<hbm>> -> memref<16777216xf32, #tpu.memory_space<hbm>>
    tpu.wait_indirect_dma semaphore(%arg18 : memref<!tpu.dma_semaphore, #tpu.memory_space<semaphore_mem>>) src(%dma_wait3A_453 : memref<16777216xf32, #tpu.memory_space<hbm>>) dst(%dma_wait3A_448 : memref<512xf32, #tpu.memory_space<vmem>>)
    %dma_wait3A_454 = arith.constant 6 : i32
    %dma_wait3A_455 = arith.constant 6 : i32
    %dma_wait3A_456 = arith.constant 0 : i32
    %dma_wait3A_457 = tpu.memref_slice %arg13[%dma_wait3A_455, %dma_wait3A_456] : memref<16x512xf32, #tpu.memory_space<vmem>> -> memref<1x512xf32, #tpu.memory_space<vmem>>
    %dma_wait3A_458 = tpu.memref_squeeze %dma_wait3A_457 : memref<1x512xf32, #tpu.memory_space<vmem>> -> memref<512xf32, #tpu.memory_space<vmem>>
    %dma_wait3A_459 = arith.constant 0 : i32
    %dma_wait3A_460 = tpu.memref_slice %arg11[%dma_wait3A_454, %dma_wait3A_459] : memref<16x512xi32, #tpu.memory_space<vmem>> -> memref<1x512xi32, #tpu.memory_space<vmem>>
    %dma_wait3A_461 = tpu.memref_squeeze %dma_wait3A_460 : memref<1x512xi32, #tpu.memory_space<vmem>> -> memref<512xi32, #tpu.memory_space<vmem>>
    %dma_wait3A_462 = arith.constant 0 : i32
    %dma_wait3A_463 = tpu.memref_slice %arg4[%dma_wait3A_462] : memref<16777216xf32, #tpu.memory_space<hbm>> -> memref<16777216xf32, #tpu.memory_space<hbm>>
    tpu.wait_indirect_dma semaphore(%arg18 : memref<!tpu.dma_semaphore, #tpu.memory_space<semaphore_mem>>) src(%dma_wait3A_463 : memref<16777216xf32, #tpu.memory_space<hbm>>) dst(%dma_wait3A_458 : memref<512xf32, #tpu.memory_space<vmem>>)
    %dma_wait3A_464 = arith.constant 6 : i32
    %dma_wait3A_465 = arith.constant 6 : i32
    %dma_wait3A_466 = arith.constant 0 : i32
    %dma_wait3A_467 = tpu.memref_slice %arg14[%dma_wait3A_465, %dma_wait3A_466] : memref<16x512xf32, #tpu.memory_space<vmem>> -> memref<1x512xf32, #tpu.memory_space<vmem>>
    %dma_wait3A_468 = tpu.memref_squeeze %dma_wait3A_467 : memref<1x512xf32, #tpu.memory_space<vmem>> -> memref<512xf32, #tpu.memory_space<vmem>>
    %dma_wait3A_469 = arith.constant 0 : i32
    %dma_wait3A_470 = tpu.memref_slice %arg12[%dma_wait3A_464, %dma_wait3A_469] : memref<16x512xi32, #tpu.memory_space<vmem>> -> memref<1x512xi32, #tpu.memory_space<vmem>>
    %dma_wait3A_471 = tpu.memref_squeeze %dma_wait3A_470 : memref<1x512xi32, #tpu.memory_space<vmem>> -> memref<512xi32, #tpu.memory_space<vmem>>
    %dma_wait3A_472 = arith.constant 0 : i32
    %dma_wait3A_473 = tpu.memref_slice %arg5[%dma_wait3A_472] : memref<16777216xf32, #tpu.memory_space<hbm>> -> memref<16777216xf32, #tpu.memory_space<hbm>>
    tpu.wait_indirect_dma semaphore(%arg18 : memref<!tpu.dma_semaphore, #tpu.memory_space<semaphore_mem>>) src(%dma_wait3A_473 : memref<16777216xf32, #tpu.memory_space<hbm>>) dst(%dma_wait3A_468 : memref<512xf32, #tpu.memory_space<vmem>>)
    %dma_wait3A_474 = arith.constant 7 : i32
    %dma_wait3A_475 = arith.constant 7 : i32
    %dma_wait3A_476 = arith.constant 0 : i32
    %dma_wait3A_477 = tpu.memref_slice %arg13[%dma_wait3A_475, %dma_wait3A_476] : memref<16x512xf32, #tpu.memory_space<vmem>> -> memref<1x512xf32, #tpu.memory_space<vmem>>
    %dma_wait3A_478 = tpu.memref_squeeze %dma_wait3A_477 : memref<1x512xf32, #tpu.memory_space<vmem>> -> memref<512xf32, #tpu.memory_space<vmem>>
    %dma_wait3A_479 = arith.constant 0 : i32
    %dma_wait3A_480 = tpu.memref_slice %arg11[%dma_wait3A_474, %dma_wait3A_479] : memref<16x512xi32, #tpu.memory_space<vmem>> -> memref<1x512xi32, #tpu.memory_space<vmem>>
    %dma_wait3A_481 = tpu.memref_squeeze %dma_wait3A_480 : memref<1x512xi32, #tpu.memory_space<vmem>> -> memref<512xi32, #tpu.memory_space<vmem>>
    %dma_wait3A_482 = arith.constant 0 : i32
    %dma_wait3A_483 = tpu.memref_slice %arg4[%dma_wait3A_482] : memref<16777216xf32, #tpu.memory_space<hbm>> -> memref<16777216xf32, #tpu.memory_space<hbm>>
    tpu.wait_indirect_dma semaphore(%arg18 : memref<!tpu.dma_semaphore, #tpu.memory_space<semaphore_mem>>) src(%dma_wait3A_483 : memref<16777216xf32, #tpu.memory_space<hbm>>) dst(%dma_wait3A_478 : memref<512xf32, #tpu.memory_space<vmem>>)
    %dma_wait3A_484 = arith.constant 7 : i32
    %dma_wait3A_485 = arith.constant 7 : i32
    %dma_wait3A_486 = arith.constant 0 : i32
    %dma_wait3A_487 = tpu.memref_slice %arg14[%dma_wait3A_485, %dma_wait3A_486] : memref<16x512xf32, #tpu.memory_space<vmem>> -> memref<1x512xf32, #tpu.memory_space<vmem>>
    %dma_wait3A_488 = tpu.memref_squeeze %dma_wait3A_487 : memref<1x512xf32, #tpu.memory_space<vmem>> -> memref<512xf32, #tpu.memory_space<vmem>>
    %dma_wait3A_489 = arith.constant 0 : i32
    %dma_wait3A_490 = tpu.memref_slice %arg12[%dma_wait3A_484, %dma_wait3A_489] : memref<16x512xi32, #tpu.memory_space<vmem>> -> memref<1x512xi32, #tpu.memory_space<vmem>>
    %dma_wait3A_491 = tpu.memref_squeeze %dma_wait3A_490 : memref<1x512xi32, #tpu.memory_space<vmem>> -> memref<512xi32, #tpu.memory_space<vmem>>
    %dma_wait3A_492 = arith.constant 0 : i32
    %dma_wait3A_493 = tpu.memref_slice %arg5[%dma_wait3A_492] : memref<16777216xf32, #tpu.memory_space<hbm>> -> memref<16777216xf32, #tpu.memory_space<hbm>>
    tpu.wait_indirect_dma semaphore(%arg18 : memref<!tpu.dma_semaphore, #tpu.memory_space<semaphore_mem>>) src(%dma_wait3A_493 : memref<16777216xf32, #tpu.memory_space<hbm>>) dst(%dma_wait3A_488 : memref<512xf32, #tpu.memory_space<vmem>>)
    %dma_wait3A_494 = arith.constant 8 : i32
    %dma_wait3A_495 = arith.constant 8 : i32
    %dma_wait3A_496 = arith.constant 0 : i32
    %dma_wait3A_497 = tpu.memref_slice %arg13[%dma_wait3A_495, %dma_wait3A_496] : memref<16x512xf32, #tpu.memory_space<vmem>> -> memref<1x512xf32, #tpu.memory_space<vmem>>
    %dma_wait3A_498 = tpu.memref_squeeze %dma_wait3A_497 : memref<1x512xf32, #tpu.memory_space<vmem>> -> memref<512xf32, #tpu.memory_space<vmem>>
    %dma_wait3A_499 = arith.constant 0 : i32
    %dma_wait3A_500 = tpu.memref_slice %arg11[%dma_wait3A_494, %dma_wait3A_499] : memref<16x512xi32, #tpu.memory_space<vmem>> -> memref<1x512xi32, #tpu.memory_space<vmem>>
    %dma_wait3A_501 = tpu.memref_squeeze %dma_wait3A_500 : memref<1x512xi32, #tpu.memory_space<vmem>> -> memref<512xi32, #tpu.memory_space<vmem>>
    %dma_wait3A_502 = arith.constant 0 : i32
    %dma_wait3A_503 = tpu.memref_slice %arg4[%dma_wait3A_502] : memref<16777216xf32, #tpu.memory_space<hbm>> -> memref<16777216xf32, #tpu.memory_space<hbm>>
    tpu.wait_indirect_dma semaphore(%arg18 : memref<!tpu.dma_semaphore, #tpu.memory_space<semaphore_mem>>) src(%dma_wait3A_503 : memref<16777216xf32, #tpu.memory_space<hbm>>) dst(%dma_wait3A_498 : memref<512xf32, #tpu.memory_space<vmem>>)
    %dma_wait3A_504 = arith.constant 8 : i32
    %dma_wait3A_505 = arith.constant 8 : i32
    %dma_wait3A_506 = arith.constant 0 : i32
    %dma_wait3A_507 = tpu.memref_slice %arg14[%dma_wait3A_505, %dma_wait3A_506] : memref<16x512xf32, #tpu.memory_space<vmem>> -> memref<1x512xf32, #tpu.memory_space<vmem>>
    %dma_wait3A_508 = tpu.memref_squeeze %dma_wait3A_507 : memref<1x512xf32, #tpu.memory_space<vmem>> -> memref<512xf32, #tpu.memory_space<vmem>>
    %dma_wait3A_509 = arith.constant 0 : i32
    %dma_wait3A_510 = tpu.memref_slice %arg12[%dma_wait3A_504, %dma_wait3A_509] : memref<16x512xi32, #tpu.memory_space<vmem>> -> memref<1x512xi32, #tpu.memory_space<vmem>>
    %dma_wait3A_511 = tpu.memref_squeeze %dma_wait3A_510 : memref<1x512xi32, #tpu.memory_space<vmem>> -> memref<512xi32, #tpu.memory_space<vmem>>
    %dma_wait3A_512 = arith.constant 0 : i32
    %dma_wait3A_513 = tpu.memref_slice %arg5[%dma_wait3A_512] : memref<16777216xf32, #tpu.memory_space<hbm>> -> memref<16777216xf32, #tpu.memory_space<hbm>>
    tpu.wait_indirect_dma semaphore(%arg18 : memref<!tpu.dma_semaphore, #tpu.memory_space<semaphore_mem>>) src(%dma_wait3A_513 : memref<16777216xf32, #tpu.memory_space<hbm>>) dst(%dma_wait3A_508 : memref<512xf32, #tpu.memory_space<vmem>>)
    %dma_wait3A_514 = arith.constant 9 : i32
    %dma_wait3A_515 = arith.constant 9 : i32
    %dma_wait3A_516 = arith.constant 0 : i32
    %dma_wait3A_517 = tpu.memref_slice %arg13[%dma_wait3A_515, %dma_wait3A_516] : memref<16x512xf32, #tpu.memory_space<vmem>> -> memref<1x512xf32, #tpu.memory_space<vmem>>
    %dma_wait3A_518 = tpu.memref_squeeze %dma_wait3A_517 : memref<1x512xf32, #tpu.memory_space<vmem>> -> memref<512xf32, #tpu.memory_space<vmem>>
    %dma_wait3A_519 = arith.constant 0 : i32
    %dma_wait3A_520 = tpu.memref_slice %arg11[%dma_wait3A_514, %dma_wait3A_519] : memref<16x512xi32, #tpu.memory_space<vmem>> -> memref<1x512xi32, #tpu.memory_space<vmem>>
    %dma_wait3A_521 = tpu.memref_squeeze %dma_wait3A_520 : memref<1x512xi32, #tpu.memory_space<vmem>> -> memref<512xi32, #tpu.memory_space<vmem>>
    %dma_wait3A_522 = arith.constant 0 : i32
    %dma_wait3A_523 = tpu.memref_slice %arg4[%dma_wait3A_522] : memref<16777216xf32, #tpu.memory_space<hbm>> -> memref<16777216xf32, #tpu.memory_space<hbm>>
    tpu.wait_indirect_dma semaphore(%arg18 : memref<!tpu.dma_semaphore, #tpu.memory_space<semaphore_mem>>) src(%dma_wait3A_523 : memref<16777216xf32, #tpu.memory_space<hbm>>) dst(%dma_wait3A_518 : memref<512xf32, #tpu.memory_space<vmem>>)
    %dma_wait3A_524 = arith.constant 9 : i32
    %dma_wait3A_525 = arith.constant 9 : i32
    %dma_wait3A_526 = arith.constant 0 : i32
    %dma_wait3A_527 = tpu.memref_slice %arg14[%dma_wait3A_525, %dma_wait3A_526] : memref<16x512xf32, #tpu.memory_space<vmem>> -> memref<1x512xf32, #tpu.memory_space<vmem>>
    %dma_wait3A_528 = tpu.memref_squeeze %dma_wait3A_527 : memref<1x512xf32, #tpu.memory_space<vmem>> -> memref<512xf32, #tpu.memory_space<vmem>>
    %dma_wait3A_529 = arith.constant 0 : i32
    %dma_wait3A_530 = tpu.memref_slice %arg12[%dma_wait3A_524, %dma_wait3A_529] : memref<16x512xi32, #tpu.memory_space<vmem>> -> memref<1x512xi32, #tpu.memory_space<vmem>>
    %dma_wait3A_531 = tpu.memref_squeeze %dma_wait3A_530 : memref<1x512xi32, #tpu.memory_space<vmem>> -> memref<512xi32, #tpu.memory_space<vmem>>
    %dma_wait3A_532 = arith.constant 0 : i32
    %dma_wait3A_533 = tpu.memref_slice %arg5[%dma_wait3A_532] : memref<16777216xf32, #tpu.memory_space<hbm>> -> memref<16777216xf32, #tpu.memory_space<hbm>>
    tpu.wait_indirect_dma semaphore(%arg18 : memref<!tpu.dma_semaphore, #tpu.memory_space<semaphore_mem>>) src(%dma_wait3A_533 : memref<16777216xf32, #tpu.memory_space<hbm>>) dst(%dma_wait3A_528 : memref<512xf32, #tpu.memory_space<vmem>>)
    %dma_wait3A_534 = arith.constant 10 : i32
    %dma_wait3A_535 = arith.constant 10 : i32
    %dma_wait3A_536 = arith.constant 0 : i32
    %dma_wait3A_537 = tpu.memref_slice %arg13[%dma_wait3A_535, %dma_wait3A_536] : memref<16x512xf32, #tpu.memory_space<vmem>> -> memref<1x512xf32, #tpu.memory_space<vmem>>
    %dma_wait3A_538 = tpu.memref_squeeze %dma_wait3A_537 : memref<1x512xf32, #tpu.memory_space<vmem>> -> memref<512xf32, #tpu.memory_space<vmem>>
    %dma_wait3A_539 = arith.constant 0 : i32
    %dma_wait3A_540 = tpu.memref_slice %arg11[%dma_wait3A_534, %dma_wait3A_539] : memref<16x512xi32, #tpu.memory_space<vmem>> -> memref<1x512xi32, #tpu.memory_space<vmem>>
    %dma_wait3A_541 = tpu.memref_squeeze %dma_wait3A_540 : memref<1x512xi32, #tpu.memory_space<vmem>> -> memref<512xi32, #tpu.memory_space<vmem>>
    %dma_wait3A_542 = arith.constant 0 : i32
    %dma_wait3A_543 = tpu.memref_slice %arg4[%dma_wait3A_542] : memref<16777216xf32, #tpu.memory_space<hbm>> -> memref<16777216xf32, #tpu.memory_space<hbm>>
    tpu.wait_indirect_dma semaphore(%arg18 : memref<!tpu.dma_semaphore, #tpu.memory_space<semaphore_mem>>) src(%dma_wait3A_543 : memref<16777216xf32, #tpu.memory_space<hbm>>) dst(%dma_wait3A_538 : memref<512xf32, #tpu.memory_space<vmem>>)
    %dma_wait3A_544 = arith.constant 10 : i32
    %dma_wait3A_545 = arith.constant 10 : i32
    %dma_wait3A_546 = arith.constant 0 : i32
    %dma_wait3A_547 = tpu.memref_slice %arg14[%dma_wait3A_545, %dma_wait3A_546] : memref<16x512xf32, #tpu.memory_space<vmem>> -> memref<1x512xf32, #tpu.memory_space<vmem>>
    %dma_wait3A_548 = tpu.memref_squeeze %dma_wait3A_547 : memref<1x512xf32, #tpu.memory_space<vmem>> -> memref<512xf32, #tpu.memory_space<vmem>>
    %dma_wait3A_549 = arith.constant 0 : i32
    %dma_wait3A_550 = tpu.memref_slice %arg12[%dma_wait3A_544, %dma_wait3A_549] : memref<16x512xi32, #tpu.memory_space<vmem>> -> memref<1x512xi32, #tpu.memory_space<vmem>>
    %dma_wait3A_551 = tpu.memref_squeeze %dma_wait3A_550 : memref<1x512xi32, #tpu.memory_space<vmem>> -> memref<512xi32, #tpu.memory_space<vmem>>
    %dma_wait3A_552 = arith.constant 0 : i32
    %dma_wait3A_553 = tpu.memref_slice %arg5[%dma_wait3A_552] : memref<16777216xf32, #tpu.memory_space<hbm>> -> memref<16777216xf32, #tpu.memory_space<hbm>>
    tpu.wait_indirect_dma semaphore(%arg18 : memref<!tpu.dma_semaphore, #tpu.memory_space<semaphore_mem>>) src(%dma_wait3A_553 : memref<16777216xf32, #tpu.memory_space<hbm>>) dst(%dma_wait3A_548 : memref<512xf32, #tpu.memory_space<vmem>>)
    %dma_wait3A_554 = arith.constant 11 : i32
    %dma_wait3A_555 = arith.constant 11 : i32
    %dma_wait3A_556 = arith.constant 0 : i32
    %dma_wait3A_557 = tpu.memref_slice %arg13[%dma_wait3A_555, %dma_wait3A_556] : memref<16x512xf32, #tpu.memory_space<vmem>> -> memref<1x512xf32, #tpu.memory_space<vmem>>
    %dma_wait3A_558 = tpu.memref_squeeze %dma_wait3A_557 : memref<1x512xf32, #tpu.memory_space<vmem>> -> memref<512xf32, #tpu.memory_space<vmem>>
    %dma_wait3A_559 = arith.constant 0 : i32
    %dma_wait3A_560 = tpu.memref_slice %arg11[%dma_wait3A_554, %dma_wait3A_559] : memref<16x512xi32, #tpu.memory_space<vmem>> -> memref<1x512xi32, #tpu.memory_space<vmem>>
    %dma_wait3A_561 = tpu.memref_squeeze %dma_wait3A_560 : memref<1x512xi32, #tpu.memory_space<vmem>> -> memref<512xi32, #tpu.memory_space<vmem>>
    %dma_wait3A_562 = arith.constant 0 : i32
    %dma_wait3A_563 = tpu.memref_slice %arg4[%dma_wait3A_562] : memref<16777216xf32, #tpu.memory_space<hbm>> -> memref<16777216xf32, #tpu.memory_space<hbm>>
    tpu.wait_indirect_dma semaphore(%arg18 : memref<!tpu.dma_semaphore, #tpu.memory_space<semaphore_mem>>) src(%dma_wait3A_563 : memref<16777216xf32, #tpu.memory_space<hbm>>) dst(%dma_wait3A_558 : memref<512xf32, #tpu.memory_space<vmem>>)
    %dma_wait3A_564 = arith.constant 11 : i32
    %dma_wait3A_565 = arith.constant 11 : i32
    %dma_wait3A_566 = arith.constant 0 : i32
    %dma_wait3A_567 = tpu.memref_slice %arg14[%dma_wait3A_565, %dma_wait3A_566] : memref<16x512xf32, #tpu.memory_space<vmem>> -> memref<1x512xf32, #tpu.memory_space<vmem>>
    %dma_wait3A_568 = tpu.memref_squeeze %dma_wait3A_567 : memref<1x512xf32, #tpu.memory_space<vmem>> -> memref<512xf32, #tpu.memory_space<vmem>>
    %dma_wait3A_569 = arith.constant 0 : i32
    %dma_wait3A_570 = tpu.memref_slice %arg12[%dma_wait3A_564, %dma_wait3A_569] : memref<16x512xi32, #tpu.memory_space<vmem>> -> memref<1x512xi32, #tpu.memory_space<vmem>>
    %dma_wait3A_571 = tpu.memref_squeeze %dma_wait3A_570 : memref<1x512xi32, #tpu.memory_space<vmem>> -> memref<512xi32, #tpu.memory_space<vmem>>
    %dma_wait3A_572 = arith.constant 0 : i32
    %dma_wait3A_573 = tpu.memref_slice %arg5[%dma_wait3A_572] : memref<16777216xf32, #tpu.memory_space<hbm>> -> memref<16777216xf32, #tpu.memory_space<hbm>>
    tpu.wait_indirect_dma semaphore(%arg18 : memref<!tpu.dma_semaphore, #tpu.memory_space<semaphore_mem>>) src(%dma_wait3A_573 : memref<16777216xf32, #tpu.memory_space<hbm>>) dst(%dma_wait3A_568 : memref<512xf32, #tpu.memory_space<vmem>>)
    %dma_wait3A_574 = arith.constant 12 : i32
    %dma_wait3A_575 = arith.constant 12 : i32
    %dma_wait3A_576 = arith.constant 0 : i32
    %dma_wait3A_577 = tpu.memref_slice %arg13[%dma_wait3A_575, %dma_wait3A_576] : memref<16x512xf32, #tpu.memory_space<vmem>> -> memref<1x512xf32, #tpu.memory_space<vmem>>
    %dma_wait3A_578 = tpu.memref_squeeze %dma_wait3A_577 : memref<1x512xf32, #tpu.memory_space<vmem>> -> memref<512xf32, #tpu.memory_space<vmem>>
    %dma_wait3A_579 = arith.constant 0 : i32
    %dma_wait3A_580 = tpu.memref_slice %arg11[%dma_wait3A_574, %dma_wait3A_579] : memref<16x512xi32, #tpu.memory_space<vmem>> -> memref<1x512xi32, #tpu.memory_space<vmem>>
    %dma_wait3A_581 = tpu.memref_squeeze %dma_wait3A_580 : memref<1x512xi32, #tpu.memory_space<vmem>> -> memref<512xi32, #tpu.memory_space<vmem>>
    %dma_wait3A_582 = arith.constant 0 : i32
    %dma_wait3A_583 = tpu.memref_slice %arg4[%dma_wait3A_582] : memref<16777216xf32, #tpu.memory_space<hbm>> -> memref<16777216xf32, #tpu.memory_space<hbm>>
    tpu.wait_indirect_dma semaphore(%arg18 : memref<!tpu.dma_semaphore, #tpu.memory_space<semaphore_mem>>) src(%dma_wait3A_583 : memref<16777216xf32, #tpu.memory_space<hbm>>) dst(%dma_wait3A_578 : memref<512xf32, #tpu.memory_space<vmem>>)
    %dma_wait3A_584 = arith.constant 12 : i32
    %dma_wait3A_585 = arith.constant 12 : i32
    %dma_wait3A_586 = arith.constant 0 : i32
    %dma_wait3A_587 = tpu.memref_slice %arg14[%dma_wait3A_585, %dma_wait3A_586] : memref<16x512xf32, #tpu.memory_space<vmem>> -> memref<1x512xf32, #tpu.memory_space<vmem>>
    %dma_wait3A_588 = tpu.memref_squeeze %dma_wait3A_587 : memref<1x512xf32, #tpu.memory_space<vmem>> -> memref<512xf32, #tpu.memory_space<vmem>>
    %dma_wait3A_589 = arith.constant 0 : i32
    %dma_wait3A_590 = tpu.memref_slice %arg12[%dma_wait3A_584, %dma_wait3A_589] : memref<16x512xi32, #tpu.memory_space<vmem>> -> memref<1x512xi32, #tpu.memory_space<vmem>>
    %dma_wait3A_591 = tpu.memref_squeeze %dma_wait3A_590 : memref<1x512xi32, #tpu.memory_space<vmem>> -> memref<512xi32, #tpu.memory_space<vmem>>
    %dma_wait3A_592 = arith.constant 0 : i32
    %dma_wait3A_593 = tpu.memref_slice %arg5[%dma_wait3A_592] : memref<16777216xf32, #tpu.memory_space<hbm>> -> memref<16777216xf32, #tpu.memory_space<hbm>>
    tpu.wait_indirect_dma semaphore(%arg18 : memref<!tpu.dma_semaphore, #tpu.memory_space<semaphore_mem>>) src(%dma_wait3A_593 : memref<16777216xf32, #tpu.memory_space<hbm>>) dst(%dma_wait3A_588 : memref<512xf32, #tpu.memory_space<vmem>>)
    %dma_wait3A_594 = arith.constant 13 : i32
    %dma_wait3A_595 = arith.constant 13 : i32
    %dma_wait3A_596 = arith.constant 0 : i32
    %dma_wait3A_597 = tpu.memref_slice %arg13[%dma_wait3A_595, %dma_wait3A_596] : memref<16x512xf32, #tpu.memory_space<vmem>> -> memref<1x512xf32, #tpu.memory_space<vmem>>
    %dma_wait3A_598 = tpu.memref_squeeze %dma_wait3A_597 : memref<1x512xf32, #tpu.memory_space<vmem>> -> memref<512xf32, #tpu.memory_space<vmem>>
    %dma_wait3A_599 = arith.constant 0 : i32
    %dma_wait3A_600 = tpu.memref_slice %arg11[%dma_wait3A_594, %dma_wait3A_599] : memref<16x512xi32, #tpu.memory_space<vmem>> -> memref<1x512xi32, #tpu.memory_space<vmem>>
    %dma_wait3A_601 = tpu.memref_squeeze %dma_wait3A_600 : memref<1x512xi32, #tpu.memory_space<vmem>> -> memref<512xi32, #tpu.memory_space<vmem>>
    %dma_wait3A_602 = arith.constant 0 : i32
    %dma_wait3A_603 = tpu.memref_slice %arg4[%dma_wait3A_602] : memref<16777216xf32, #tpu.memory_space<hbm>> -> memref<16777216xf32, #tpu.memory_space<hbm>>
    tpu.wait_indirect_dma semaphore(%arg18 : memref<!tpu.dma_semaphore, #tpu.memory_space<semaphore_mem>>) src(%dma_wait3A_603 : memref<16777216xf32, #tpu.memory_space<hbm>>) dst(%dma_wait3A_598 : memref<512xf32, #tpu.memory_space<vmem>>)
    %dma_wait3A_604 = arith.constant 13 : i32
    %dma_wait3A_605 = arith.constant 13 : i32
    %dma_wait3A_606 = arith.constant 0 : i32
    %dma_wait3A_607 = tpu.memref_slice %arg14[%dma_wait3A_605, %dma_wait3A_606] : memref<16x512xf32, #tpu.memory_space<vmem>> -> memref<1x512xf32, #tpu.memory_space<vmem>>
    %dma_wait3A_608 = tpu.memref_squeeze %dma_wait3A_607 : memref<1x512xf32, #tpu.memory_space<vmem>> -> memref<512xf32, #tpu.memory_space<vmem>>
    %dma_wait3A_609 = arith.constant 0 : i32
    %dma_wait3A_610 = tpu.memref_slice %arg12[%dma_wait3A_604, %dma_wait3A_609] : memref<16x512xi32, #tpu.memory_space<vmem>> -> memref<1x512xi32, #tpu.memory_space<vmem>>
    %dma_wait3A_611 = tpu.memref_squeeze %dma_wait3A_610 : memref<1x512xi32, #tpu.memory_space<vmem>> -> memref<512xi32, #tpu.memory_space<vmem>>
    %dma_wait3A_612 = arith.constant 0 : i32
    %dma_wait3A_613 = tpu.memref_slice %arg5[%dma_wait3A_612] : memref<16777216xf32, #tpu.memory_space<hbm>> -> memref<16777216xf32, #tpu.memory_space<hbm>>
    tpu.wait_indirect_dma semaphore(%arg18 : memref<!tpu.dma_semaphore, #tpu.memory_space<semaphore_mem>>) src(%dma_wait3A_613 : memref<16777216xf32, #tpu.memory_space<hbm>>) dst(%dma_wait3A_608 : memref<512xf32, #tpu.memory_space<vmem>>)
    %dma_wait3A_614 = arith.constant 14 : i32
    %dma_wait3A_615 = arith.constant 14 : i32
    %dma_wait3A_616 = arith.constant 0 : i32
    %dma_wait3A_617 = tpu.memref_slice %arg13[%dma_wait3A_615, %dma_wait3A_616] : memref<16x512xf32, #tpu.memory_space<vmem>> -> memref<1x512xf32, #tpu.memory_space<vmem>>
    %dma_wait3A_618 = tpu.memref_squeeze %dma_wait3A_617 : memref<1x512xf32, #tpu.memory_space<vmem>> -> memref<512xf32, #tpu.memory_space<vmem>>
    %dma_wait3A_619 = arith.constant 0 : i32
    %dma_wait3A_620 = tpu.memref_slice %arg11[%dma_wait3A_614, %dma_wait3A_619] : memref<16x512xi32, #tpu.memory_space<vmem>> -> memref<1x512xi32, #tpu.memory_space<vmem>>
    %dma_wait3A_621 = tpu.memref_squeeze %dma_wait3A_620 : memref<1x512xi32, #tpu.memory_space<vmem>> -> memref<512xi32, #tpu.memory_space<vmem>>
    %dma_wait3A_622 = arith.constant 0 : i32
    %dma_wait3A_623 = tpu.memref_slice %arg4[%dma_wait3A_622] : memref<16777216xf32, #tpu.memory_space<hbm>> -> memref<16777216xf32, #tpu.memory_space<hbm>>
    tpu.wait_indirect_dma semaphore(%arg18 : memref<!tpu.dma_semaphore, #tpu.memory_space<semaphore_mem>>) src(%dma_wait3A_623 : memref<16777216xf32, #tpu.memory_space<hbm>>) dst(%dma_wait3A_618 : memref<512xf32, #tpu.memory_space<vmem>>)
    %dma_wait3A_624 = arith.constant 14 : i32
    %dma_wait3A_625 = arith.constant 14 : i32
    %dma_wait3A_626 = arith.constant 0 : i32
    %dma_wait3A_627 = tpu.memref_slice %arg14[%dma_wait3A_625, %dma_wait3A_626] : memref<16x512xf32, #tpu.memory_space<vmem>> -> memref<1x512xf32, #tpu.memory_space<vmem>>
    %dma_wait3A_628 = tpu.memref_squeeze %dma_wait3A_627 : memref<1x512xf32, #tpu.memory_space<vmem>> -> memref<512xf32, #tpu.memory_space<vmem>>
    %dma_wait3A_629 = arith.constant 0 : i32
    %dma_wait3A_630 = tpu.memref_slice %arg12[%dma_wait3A_624, %dma_wait3A_629] : memref<16x512xi32, #tpu.memory_space<vmem>> -> memref<1x512xi32, #tpu.memory_space<vmem>>
    %dma_wait3A_631 = tpu.memref_squeeze %dma_wait3A_630 : memref<1x512xi32, #tpu.memory_space<vmem>> -> memref<512xi32, #tpu.memory_space<vmem>>
    %dma_wait3A_632 = arith.constant 0 : i32
    %dma_wait3A_633 = tpu.memref_slice %arg5[%dma_wait3A_632] : memref<16777216xf32, #tpu.memory_space<hbm>> -> memref<16777216xf32, #tpu.memory_space<hbm>>
    tpu.wait_indirect_dma semaphore(%arg18 : memref<!tpu.dma_semaphore, #tpu.memory_space<semaphore_mem>>) src(%dma_wait3A_633 : memref<16777216xf32, #tpu.memory_space<hbm>>) dst(%dma_wait3A_628 : memref<512xf32, #tpu.memory_space<vmem>>)
    %dma_wait3A_634 = arith.constant 15 : i32
    %dma_wait3A_635 = arith.constant 15 : i32
    %dma_wait3A_636 = arith.constant 0 : i32
    %dma_wait3A_637 = tpu.memref_slice %arg13[%dma_wait3A_635, %dma_wait3A_636] : memref<16x512xf32, #tpu.memory_space<vmem>> -> memref<1x512xf32, #tpu.memory_space<vmem>>
    %dma_wait3A_638 = tpu.memref_squeeze %dma_wait3A_637 : memref<1x512xf32, #tpu.memory_space<vmem>> -> memref<512xf32, #tpu.memory_space<vmem>>
    %dma_wait3A_639 = arith.constant 0 : i32
    %dma_wait3A_640 = tpu.memref_slice %arg11[%dma_wait3A_634, %dma_wait3A_639] : memref<16x512xi32, #tpu.memory_space<vmem>> -> memref<1x512xi32, #tpu.memory_space<vmem>>
    %dma_wait3A_641 = tpu.memref_squeeze %dma_wait3A_640 : memref<1x512xi32, #tpu.memory_space<vmem>> -> memref<512xi32, #tpu.memory_space<vmem>>
    %dma_wait3A_642 = arith.constant 0 : i32
    %dma_wait3A_643 = tpu.memref_slice %arg4[%dma_wait3A_642] : memref<16777216xf32, #tpu.memory_space<hbm>> -> memref<16777216xf32, #tpu.memory_space<hbm>>
    tpu.wait_indirect_dma semaphore(%arg18 : memref<!tpu.dma_semaphore, #tpu.memory_space<semaphore_mem>>) src(%dma_wait3A_643 : memref<16777216xf32, #tpu.memory_space<hbm>>) dst(%dma_wait3A_638 : memref<512xf32, #tpu.memory_space<vmem>>)
    %dma_wait3A_644 = arith.constant 15 : i32
    %dma_wait3A_645 = arith.constant 15 : i32
    %dma_wait3A_646 = arith.constant 0 : i32
    %dma_wait3A_647 = tpu.memref_slice %arg14[%dma_wait3A_645, %dma_wait3A_646] : memref<16x512xf32, #tpu.memory_space<vmem>> -> memref<1x512xf32, #tpu.memory_space<vmem>>
    %dma_wait3A_648 = tpu.memref_squeeze %dma_wait3A_647 : memref<1x512xf32, #tpu.memory_space<vmem>> -> memref<512xf32, #tpu.memory_space<vmem>>
    %dma_wait3A_649 = arith.constant 0 : i32
    %dma_wait3A_650 = tpu.memref_slice %arg12[%dma_wait3A_644, %dma_wait3A_649] : memref<16x512xi32, #tpu.memory_space<vmem>> -> memref<1x512xi32, #tpu.memory_space<vmem>>
    %dma_wait3A_651 = tpu.memref_squeeze %dma_wait3A_650 : memref<1x512xi32, #tpu.memory_space<vmem>> -> memref<512xi32, #tpu.memory_space<vmem>>
    %dma_wait3A_652 = arith.constant 0 : i32
    %dma_wait3A_653 = tpu.memref_slice %arg5[%dma_wait3A_652] : memref<16777216xf32, #tpu.memory_space<hbm>> -> memref<16777216xf32, #tpu.memory_space<hbm>>
    tpu.wait_indirect_dma semaphore(%arg18 : memref<!tpu.dma_semaphore, #tpu.memory_space<semaphore_mem>>) src(%dma_wait3A_653 : memref<16777216xf32, #tpu.memory_space<hbm>>) dst(%dma_wait3A_648 : memref<512xf32, #tpu.memory_space<vmem>>)
    %scan3A_654 = arith.constant 0 : i32
    %scan3A_655 = arith.constant 0 : i32
    %scan3A_656 = arith.constant 32 : i32
    %scan3A_657 = arith.addi %scan3A_655, %scan3A_656 : i32
    %scan3A_658 = arith.constant 1 : i32
    scf.for %scan3A_660 = %scan3A_655 to %scan3A_657 step %scan3A_658  : i32 {
      %mul3A_661 = arith.constant 16 : i32
      %mul3A_662 = arith.muli %scan3A_660, %mul3A_661 : i32
      %multiple_of3A_663 = tpu.assume_multiple %mul3A_662, 16 : i32
      %get3A = arith.index_cast %multiple_of3A_663 : i32 to index
      %get3A_664 = tpu.vector_load %arg15[%get3A] {strides = array<i32>} : memref<512xf32, #tpu.memory_space<vmem>>, vector<16xf32>,
      %get3A_665 = arith.index_cast %multiple_of3A_663 : i32 to index
      %get3A_666 = tpu.vector_load %arg16[%get3A_665] {strides = array<i32>} : memref<512xf32, #tpu.memory_space<vmem>>, vector<16xf32>,
      %add3A_667 = arith.addf %get3A_664, %get3A_666 : vector<16xf32>
      %get3A_668 = arith.constant 0 : i32
      %get3A_669 = arith.index_cast %get3A_668 : i32 to index
      %get3A_670 = arith.index_cast %multiple_of3A_663 : i32 to index
      %get3A_671 = tpu.vector_load %arg13[%get3A_669, %get3A_670] {strides = array<i32>} : memref<16x512xf32, #tpu.memory_space<vmem>>, vector<16xf32>,
      %get3A_672 = arith.constant 0 : i32
      %get3A_673 = arith.index_cast %get3A_672 : i32 to index
      %get3A_674 = arith.index_cast %multiple_of3A_663 : i32 to index
      %get3A_675 = tpu.vector_load %arg14[%get3A_673, %get3A_674] {strides = array<i32>} : memref<16x512xf32, #tpu.memory_space<vmem>>, vector<16xf32>,
      %mul3A_676 = arith.mulf %get3A_671, %get3A_675 : vector<16xf32>
      %add3A_677 = arith.addf %add3A_667, %mul3A_676 : vector<16xf32>
      %get3A_678 = arith.constant 1 : i32
      %get3A_679 = arith.index_cast %get3A_678 : i32 to index
      %get3A_680 = arith.index_cast %multiple_of3A_663 : i32 to index
      %get3A_681 = tpu.vector_load %arg13[%get3A_679, %get3A_680] {strides = array<i32>} : memref<16x512xf32, #tpu.memory_space<vmem>>, vector<16xf32>,
      %get3A_682 = arith.constant 1 : i32
      %get3A_683 = arith.index_cast %get3A_682 : i32 to index
      %get3A_684 = arith.index_cast %multiple_of3A_663 : i32 to index
      %get3A_685 = tpu.vector_load %arg14[%get3A_683, %get3A_684] {strides = array<i32>} : memref<16x512xf32, #tpu.memory_space<vmem>>, vector<16xf32>,
      %mul3A_686 = arith.mulf %get3A_681, %get3A_685 : vector<16xf32>
      %add3A_687 = arith.addf %add3A_677, %mul3A_686 : vector<16xf32>
      %get3A_688 = arith.constant 2 : i32
      %get3A_689 = arith.index_cast %get3A_688 : i32 to index
      %get3A_690 = arith.index_cast %multiple_of3A_663 : i32 to index
      %get3A_691 = tpu.vector_load %arg13[%get3A_689, %get3A_690] {strides = array<i32>} : memref<16x512xf32, #tpu.memory_space<vmem>>, vector<16xf32>,
      %get3A_692 = arith.constant 2 : i32
      %get3A_693 = arith.index_cast %get3A_692 : i32 to index
      %get3A_694 = arith.index_cast %multiple_of3A_663 : i32 to index
      %get3A_695 = tpu.vector_load %arg14[%get3A_693, %get3A_694] {strides = array<i32>} : memref<16x512xf32, #tpu.memory_space<vmem>>, vector<16xf32>,
      %mul3A_696 = arith.mulf %get3A_691, %get3A_695 : vector<16xf32>
      %add3A_697 = arith.addf %add3A_687, %mul3A_696 : vector<16xf32>
      %get3A_698 = arith.constant 3 : i32
      %get3A_699 = arith.index_cast %get3A_698 : i32 to index
      %get3A_700 = arith.index_cast %multiple_of3A_663 : i32 to index
      %get3A_701 = tpu.vector_load %arg13[%get3A_699, %get3A_700] {strides = array<i32>} : memref<16x512xf32, #tpu.memory_space<vmem>>, vector<16xf32>,
      %get3A_702 = arith.constant 3 : i32
      %get3A_703 = arith.index_cast %get3A_702 : i32 to index
      %get3A_704 = arith.index_cast %multiple_of3A_663 : i32 to index
      %get3A_705 = tpu.vector_load %arg14[%get3A_703, %get3A_704] {strides = array<i32>} : memref<16x512xf32, #tpu.memory_space<vmem>>, vector<16xf32>,
      %mul3A_706 = arith.mulf %get3A_701, %get3A_705 : vector<16xf32>
      %add3A_707 = arith.addf %add3A_697, %mul3A_706 : vector<16xf32>
      %get3A_708 = arith.constant 4 : i32
      %get3A_709 = arith.index_cast %get3A_708 : i32 to index
      %get3A_710 = arith.index_cast %multiple_of3A_663 : i32 to index
      %get3A_711 = tpu.vector_load %arg13[%get3A_709, %get3A_710] {strides = array<i32>} : memref<16x512xf32, #tpu.memory_space<vmem>>, vector<16xf32>,
      %get3A_712 = arith.constant 4 : i32
      %get3A_713 = arith.index_cast %get3A_712 : i32 to index
      %get3A_714 = arith.index_cast %multiple_of3A_663 : i32 to index
      %get3A_715 = tpu.vector_load %arg14[%get3A_713, %get3A_714] {strides = array<i32>} : memref<16x512xf32, #tpu.memory_space<vmem>>, vector<16xf32>,
      %mul3A_716 = arith.mulf %get3A_711, %get3A_715 : vector<16xf32>
      %add3A_717 = arith.addf %add3A_707, %mul3A_716 : vector<16xf32>
      %get3A_718 = arith.constant 5 : i32
      %get3A_719 = arith.index_cast %get3A_718 : i32 to index
      %get3A_720 = arith.index_cast %multiple_of3A_663 : i32 to index
      %get3A_721 = tpu.vector_load %arg13[%get3A_719, %get3A_720] {strides = array<i32>} : memref<16x512xf32, #tpu.memory_space<vmem>>, vector<16xf32>,
      %get3A_722 = arith.constant 5 : i32
      %get3A_723 = arith.index_cast %get3A_722 : i32 to index
      %get3A_724 = arith.index_cast %multiple_of3A_663 : i32 to index
      %get3A_725 = tpu.vector_load %arg14[%get3A_723, %get3A_724] {strides = array<i32>} : memref<16x512xf32, #tpu.memory_space<vmem>>, vector<16xf32>,
      %mul3A_726 = arith.mulf %get3A_721, %get3A_725 : vector<16xf32>
      %add3A_727 = arith.addf %add3A_717, %mul3A_726 : vector<16xf32>
      %get3A_728 = arith.constant 6 : i32
      %get3A_729 = arith.index_cast %get3A_728 : i32 to index
      %get3A_730 = arith.index_cast %multiple_of3A_663 : i32 to index
      %get3A_731 = tpu.vector_load %arg13[%get3A_729, %get3A_730] {strides = array<i32>} : memref<16x512xf32, #tpu.memory_space<vmem>>, vector<16xf32>,
      %get3A_732 = arith.constant 6 : i32
      %get3A_733 = arith.index_cast %get3A_732 : i32 to index
      %get3A_734 = arith.index_cast %multiple_of3A_663 : i32 to index
      %get3A_735 = tpu.vector_load %arg14[%get3A_733, %get3A_734] {strides = array<i32>} : memref<16x512xf32, #tpu.memory_space<vmem>>, vector<16xf32>,
      %mul3A_736 = arith.mulf %get3A_731, %get3A_735 : vector<16xf32>
      %add3A_737 = arith.addf %add3A_727, %mul3A_736 : vector<16xf32>
      %get3A_738 = arith.constant 7 : i32
      %get3A_739 = arith.index_cast %get3A_738 : i32 to index
      %get3A_740 = arith.index_cast %multiple_of3A_663 : i32 to index
      %get3A_741 = tpu.vector_load %arg13[%get3A_739, %get3A_740] {strides = array<i32>} : memref<16x512xf32, #tpu.memory_space<vmem>>, vector<16xf32>,
      %get3A_742 = arith.constant 7 : i32
      %get3A_743 = arith.index_cast %get3A_742 : i32 to index
      %get3A_744 = arith.index_cast %multiple_of3A_663 : i32 to index
      %get3A_745 = tpu.vector_load %arg14[%get3A_743, %get3A_744] {strides = array<i32>} : memref<16x512xf32, #tpu.memory_space<vmem>>, vector<16xf32>,
      %mul3A_746 = arith.mulf %get3A_741, %get3A_745 : vector<16xf32>
      %add3A_747 = arith.addf %add3A_737, %mul3A_746 : vector<16xf32>
      %get3A_748 = arith.constant 8 : i32
      %get3A_749 = arith.index_cast %get3A_748 : i32 to index
      %get3A_750 = arith.index_cast %multiple_of3A_663 : i32 to index
      %get3A_751 = tpu.vector_load %arg13[%get3A_749, %get3A_750] {strides = array<i32>} : memref<16x512xf32, #tpu.memory_space<vmem>>, vector<16xf32>,
      %get3A_752 = arith.constant 8 : i32
      %get3A_753 = arith.index_cast %get3A_752 : i32 to index
      %get3A_754 = arith.index_cast %multiple_of3A_663 : i32 to index
      %get3A_755 = tpu.vector_load %arg14[%get3A_753, %get3A_754] {strides = array<i32>} : memref<16x512xf32, #tpu.memory_space<vmem>>, vector<16xf32>,
      %mul3A_756 = arith.mulf %get3A_751, %get3A_755 : vector<16xf32>
      %add3A_757 = arith.addf %add3A_747, %mul3A_756 : vector<16xf32>
      %get3A_758 = arith.constant 9 : i32
      %get3A_759 = arith.index_cast %get3A_758 : i32 to index
      %get3A_760 = arith.index_cast %multiple_of3A_663 : i32 to index
      %get3A_761 = tpu.vector_load %arg13[%get3A_759, %get3A_760] {strides = array<i32>} : memref<16x512xf32, #tpu.memory_space<vmem>>, vector<16xf32>,
      %get3A_762 = arith.constant 9 : i32
      %get3A_763 = arith.index_cast %get3A_762 : i32 to index
      %get3A_764 = arith.index_cast %multiple_of3A_663 : i32 to index
      %get3A_765 = tpu.vector_load %arg14[%get3A_763, %get3A_764] {strides = array<i32>} : memref<16x512xf32, #tpu.memory_space<vmem>>, vector<16xf32>,
      %mul3A_766 = arith.mulf %get3A_761, %get3A_765 : vector<16xf32>
      %add3A_767 = arith.addf %add3A_757, %mul3A_766 : vector<16xf32>
      %get3A_768 = arith.constant 10 : i32
      %get3A_769 = arith.index_cast %get3A_768 : i32 to index
      %get3A_770 = arith.index_cast %multiple_of3A_663 : i32 to index
      %get3A_771 = tpu.vector_load %arg13[%get3A_769, %get3A_770] {strides = array<i32>} : memref<16x512xf32, #tpu.memory_space<vmem>>, vector<16xf32>,
      %get3A_772 = arith.constant 10 : i32
      %get3A_773 = arith.index_cast %get3A_772 : i32 to index
      %get3A_774 = arith.index_cast %multiple_of3A_663 : i32 to index
      %get3A_775 = tpu.vector_load %arg14[%get3A_773, %get3A_774] {strides = array<i32>} : memref<16x512xf32, #tpu.memory_space<vmem>>, vector<16xf32>,
      %mul3A_776 = arith.mulf %get3A_771, %get3A_775 : vector<16xf32>
      %add3A_777 = arith.addf %add3A_767, %mul3A_776 : vector<16xf32>
      %get3A_778 = arith.constant 11 : i32
      %get3A_779 = arith.index_cast %get3A_778 : i32 to index
      %get3A_780 = arith.index_cast %multiple_of3A_663 : i32 to index
      %get3A_781 = tpu.vector_load %arg13[%get3A_779, %get3A_780] {strides = array<i32>} : memref<16x512xf32, #tpu.memory_space<vmem>>, vector<16xf32>,
      %get3A_782 = arith.constant 11 : i32
      %get3A_783 = arith.index_cast %get3A_782 : i32 to index
      %get3A_784 = arith.index_cast %multiple_of3A_663 : i32 to index
      %get3A_785 = tpu.vector_load %arg14[%get3A_783, %get3A_784] {strides = array<i32>} : memref<16x512xf32, #tpu.memory_space<vmem>>, vector<16xf32>,
      %mul3A_786 = arith.mulf %get3A_781, %get3A_785 : vector<16xf32>
      %add3A_787 = arith.addf %add3A_777, %mul3A_786 : vector<16xf32>
      %get3A_788 = arith.constant 12 : i32
      %get3A_789 = arith.index_cast %get3A_788 : i32 to index
      %get3A_790 = arith.index_cast %multiple_of3A_663 : i32 to index
      %get3A_791 = tpu.vector_load %arg13[%get3A_789, %get3A_790] {strides = array<i32>} : memref<16x512xf32, #tpu.memory_space<vmem>>, vector<16xf32>,
      %get3A_792 = arith.constant 12 : i32
      %get3A_793 = arith.index_cast %get3A_792 : i32 to index
      %get3A_794 = arith.index_cast %multiple_of3A_663 : i32 to index
      %get3A_795 = tpu.vector_load %arg14[%get3A_793, %get3A_794] {strides = array<i32>} : memref<16x512xf32, #tpu.memory_space<vmem>>, vector<16xf32>,
      %mul3A_796 = arith.mulf %get3A_791, %get3A_795 : vector<16xf32>
      %add3A_797 = arith.addf %add3A_787, %mul3A_796 : vector<16xf32>
      %get3A_798 = arith.constant 13 : i32
      %get3A_799 = arith.index_cast %get3A_798 : i32 to index
      %get3A_800 = arith.index_cast %multiple_of3A_663 : i32 to index
      %get3A_801 = tpu.vector_load %arg13[%get3A_799, %get3A_800] {strides = array<i32>} : memref<16x512xf32, #tpu.memory_space<vmem>>, vector<16xf32>,
      %get3A_802 = arith.constant 13 : i32
      %get3A_803 = arith.index_cast %get3A_802 : i32 to index
      %get3A_804 = arith.index_cast %multiple_of3A_663 : i32 to index
      %get3A_805 = tpu.vector_load %arg14[%get3A_803, %get3A_804] {strides = array<i32>} : memref<16x512xf32, #tpu.memory_space<vmem>>, vector<16xf32>,
      %mul3A_806 = arith.mulf %get3A_801, %get3A_805 : vector<16xf32>
      %add3A_807 = arith.addf %add3A_797, %mul3A_806 : vector<16xf32>
      %get3A_808 = arith.constant 14 : i32
      %get3A_809 = arith.index_cast %get3A_808 : i32 to index
      %get3A_810 = arith.index_cast %multiple_of3A_663 : i32 to index
      %get3A_811 = tpu.vector_load %arg13[%get3A_809, %get3A_810] {strides = array<i32>} : memref<16x512xf32, #tpu.memory_space<vmem>>, vector<16xf32>,
      %get3A_812 = arith.constant 14 : i32
      %get3A_813 = arith.index_cast %get3A_812 : i32 to index
      %get3A_814 = arith.index_cast %multiple_of3A_663 : i32 to index
      %get3A_815 = tpu.vector_load %arg14[%get3A_813, %get3A_814] {strides = array<i32>} : memref<16x512xf32, #tpu.memory_space<vmem>>, vector<16xf32>,
      %mul3A_816 = arith.mulf %get3A_811, %get3A_815 : vector<16xf32>
      %add3A_817 = arith.addf %add3A_807, %mul3A_816 : vector<16xf32>
      %get3A_818 = arith.constant 15 : i32
      %get3A_819 = arith.index_cast %get3A_818 : i32 to index
      %get3A_820 = arith.index_cast %multiple_of3A_663 : i32 to index
      %get3A_821 = tpu.vector_load %arg13[%get3A_819, %get3A_820] {strides = array<i32>} : memref<16x512xf32, #tpu.memory_space<vmem>>, vector<16xf32>,
      %get3A_822 = arith.constant 15 : i32
      %get3A_823 = arith.index_cast %get3A_822 : i32 to index
      %get3A_824 = arith.index_cast %multiple_of3A_663 : i32 to index
      %get3A_825 = tpu.vector_load %arg14[%get3A_823, %get3A_824] {strides = array<i32>} : memref<16x512xf32, #tpu.memory_space<vmem>>, vector<16xf32>,
      %mul3A_826 = arith.mulf %get3A_821, %get3A_825 : vector<16xf32>
      %add3A_827 = arith.addf %add3A_817, %mul3A_826 : vector<16xf32>
      %neg3A = arith.constant 0.000000e+00 : f32
      %neg3A_828 = vector.broadcast %neg3A : f32 to vector<16xf32>
      %neg3A_829 = arith.subf %neg3A_828, %add3A_827 : vector<16xf32>
      %exp3A = math.exp %neg3A_829 : vector<16xf32>
      %add3A_830 = arith.constant 1.000000e+00 : f32
      %add3A_831 = vector.broadcast %add3A_830 : f32 to vector<16xf32>
      %add3A_832 = arith.addf %add3A_831, %exp3A : vector<16xf32>
      %div3A = arith.constant 1.010000e+01 : f32
      %div3A_833 = vector.broadcast %div3A : f32 to vector<16xf32>
      %div3A_834 = arith.divf %div3A_833, %add3A_832 : vector<16xf32>
      %add3A_835 = arith.constant 0.000000e+00 : f32
      %add3A_836 = vector.broadcast %add3A_835 : f32 to vector<16xf32>
      %add3A_837 = arith.addf %div3A_834, %add3A_836 : vector<16xf32>
      %swap3A = arith.index_cast %multiple_of3A_663 : i32 to index
      %swap3A_838 = tpu.vector_load %arg17[%swap3A] {strides = array<i32>} : memref<512xf32, #tpu.memory_space<vmem>>, vector<16xf32>,
      tpu.vector_store %arg17[%swap3A], %add3A_837 {strides = array<i32>} : memref<512xf32, #tpu.memory_space<vmem>>, vector<16xf32>,
    }
    %scan3A_659 = arith.constant 32 : i32
    "tpu.region"() ({
      %run_scoped3A = tpu.sem_alloc : memref<!tpu.dma_semaphore, #tpu.memory_space<semaphore_mem>>
      %dma_start3A_660 = tpu.memref_slice %arg8[%multiple_of3A] : memref<16384xf32, #tpu.memory_space<hbm>> -> memref<512xf32, #tpu.memory_space<hbm>>
      %dma_start3A_661 = tpu.memref_slice %arg8[%multiple_of3A] : memref<16384xf32, #tpu.memory_space<hbm>> -> memref<512xf32, #tpu.memory_space<hbm>>
      tpu.enqueue_dma source(%arg17 : memref<512xf32, #tpu.memory_space<vmem>>) target(%dma_start3A_661 : memref<512xf32, #tpu.memory_space<hbm>>) target_semaphore(%run_scoped3A : memref<!tpu.dma_semaphore, #tpu.memory_space<semaphore_mem>>)
      %dma_wait3A_662 = tpu.memref_slice %arg8[%multiple_of3A] : memref<16384xf32, #tpu.memory_space<hbm>> -> memref<512xf32, #tpu.memory_space<hbm>>
      %dma_wait3A_663 = tpu.memref_slice %arg8[%multiple_of3A] : memref<16384xf32, #tpu.memory_space<hbm>> -> memref<512xf32, #tpu.memory_space<hbm>>
      tpu.wait_dma2 semaphore(%run_scoped3A : memref<!tpu.dma_semaphore, #tpu.memory_space<semaphore_mem>>) src(%arg17 : memref<512xf32, #tpu.memory_space<vmem>>) dst(%dma_wait3A_663 : memref<512xf32, #tpu.memory_space<hbm>>)
      tpu.yield
    }) : () -> ()
    return
  }
}

module attributes {stable_mosaic.version = 14 : i64} {
  func.func @_detile_body(%arg0: i32, %arg1: memref<16x65536xf32, #tpu.memory_space<vmem>>, %arg2: memref<16x65536xf32, #tpu.memory_space<vmem>>, %arg3: memref<1048576xf32, #tpu.memory_space<vmem>>, %arg4: memref<1048576xf32, #tpu.memory_space<vmem>>) attributes {dimension_semantics = [#tpu.dimension_semantics<arbitrary>], iteration_bounds = array<i64: 16>, scalar_prefetch = 0 : i64, scratch_operands = 0 : i64, tpu.core_type = #tpu.core_type<tc>, window_params = [{transform_indices = @transform_0, window_bounds = array<i64: 16, 65536>}, {transform_indices = @transform_1, window_bounds = array<i64: 16, 65536>}, {transform_indices = @transform_2, window_bounds = array<i64: 1048576>}, {transform_indices = @transform_3, window_bounds = array<i64: 1048576>}]} {
    %get3A = arith.constant 0 : index
    %get3A_0 = arith.constant 0 : index
    %get3A_1 = vector.load %arg1[%get3A, %get3A_0] : memref<16x65536xf32, #tpu.memory_space<vmem>>, vector<1x65536xf32>
    %get3A_2 = vector.shape_cast %get3A_1 : vector<1x65536xf32> to vector<65536xf32>
    %swap3A = arith.constant 0 : index
    %swap3A_3 = vector.load %arg3[%swap3A] : memref<1048576xf32, #tpu.memory_space<vmem>>, vector<65536xf32>
    tpu.vector_store %arg3[%swap3A], %get3A_2 {strides = array<i32>} : memref<1048576xf32, #tpu.memory_space<vmem>>, vector<65536xf32>,
    %get3A_4 = arith.constant 0 : index
    %get3A_5 = arith.constant 0 : index
    %get3A_6 = vector.load %arg2[%get3A_4, %get3A_5] : memref<16x65536xf32, #tpu.memory_space<vmem>>, vector<1x65536xf32>
    %get3A_7 = vector.shape_cast %get3A_6 : vector<1x65536xf32> to vector<65536xf32>
    %swap3A_8 = arith.constant 0 : index
    %swap3A_9 = vector.load %arg4[%swap3A_8] : memref<1048576xf32, #tpu.memory_space<vmem>>, vector<65536xf32>
    tpu.vector_store %arg4[%swap3A_8], %get3A_7 {strides = array<i32>} : memref<1048576xf32, #tpu.memory_space<vmem>>, vector<65536xf32>,
    %get3A_10 = arith.constant 1 : index
    %get3A_11 = arith.constant 0 : index
    %get3A_12 = vector.load %arg1[%get3A_10, %get3A_11] : memref<16x65536xf32, #tpu.memory_space<vmem>>, vector<1x65536xf32>
    %get3A_13 = vector.shape_cast %get3A_12 : vector<1x65536xf32> to vector<65536xf32>
    %swap3A_14 = arith.constant 65536 : index
    %swap3A_15 = vector.load %arg3[%swap3A_14] : memref<1048576xf32, #tpu.memory_space<vmem>>, vector<65536xf32>
    tpu.vector_store %arg3[%swap3A_14], %get3A_13 {strides = array<i32>} : memref<1048576xf32, #tpu.memory_space<vmem>>, vector<65536xf32>,
    %get3A_16 = arith.constant 1 : index
    %get3A_17 = arith.constant 0 : index
    %get3A_18 = vector.load %arg2[%get3A_16, %get3A_17] : memref<16x65536xf32, #tpu.memory_space<vmem>>, vector<1x65536xf32>
    %get3A_19 = vector.shape_cast %get3A_18 : vector<1x65536xf32> to vector<65536xf32>
    %swap3A_20 = arith.constant 65536 : index
    %swap3A_21 = vector.load %arg4[%swap3A_20] : memref<1048576xf32, #tpu.memory_space<vmem>>, vector<65536xf32>
    tpu.vector_store %arg4[%swap3A_20], %get3A_19 {strides = array<i32>} : memref<1048576xf32, #tpu.memory_space<vmem>>, vector<65536xf32>,
    %get3A_22 = arith.constant 2 : index
    %get3A_23 = arith.constant 0 : index
    %get3A_24 = vector.load %arg1[%get3A_22, %get3A_23] : memref<16x65536xf32, #tpu.memory_space<vmem>>, vector<1x65536xf32>
    %get3A_25 = vector.shape_cast %get3A_24 : vector<1x65536xf32> to vector<65536xf32>
    %swap3A_26 = arith.constant 131072 : index
    %swap3A_27 = vector.load %arg3[%swap3A_26] : memref<1048576xf32, #tpu.memory_space<vmem>>, vector<65536xf32>
    tpu.vector_store %arg3[%swap3A_26], %get3A_25 {strides = array<i32>} : memref<1048576xf32, #tpu.memory_space<vmem>>, vector<65536xf32>,
    %get3A_28 = arith.constant 2 : index
    %get3A_29 = arith.constant 0 : index
    %get3A_30 = vector.load %arg2[%get3A_28, %get3A_29] : memref<16x65536xf32, #tpu.memory_space<vmem>>, vector<1x65536xf32>
    %get3A_31 = vector.shape_cast %get3A_30 : vector<1x65536xf32> to vector<65536xf32>
    %swap3A_32 = arith.constant 131072 : index
    %swap3A_33 = vector.load %arg4[%swap3A_32] : memref<1048576xf32, #tpu.memory_space<vmem>>, vector<65536xf32>
    tpu.vector_store %arg4[%swap3A_32], %get3A_31 {strides = array<i32>} : memref<1048576xf32, #tpu.memory_space<vmem>>, vector<65536xf32>,
    %get3A_34 = arith.constant 3 : index
    %get3A_35 = arith.constant 0 : index
    %get3A_36 = vector.load %arg1[%get3A_34, %get3A_35] : memref<16x65536xf32, #tpu.memory_space<vmem>>, vector<1x65536xf32>
    %get3A_37 = vector.shape_cast %get3A_36 : vector<1x65536xf32> to vector<65536xf32>
    %swap3A_38 = arith.constant 196608 : index
    %swap3A_39 = vector.load %arg3[%swap3A_38] : memref<1048576xf32, #tpu.memory_space<vmem>>, vector<65536xf32>
    tpu.vector_store %arg3[%swap3A_38], %get3A_37 {strides = array<i32>} : memref<1048576xf32, #tpu.memory_space<vmem>>, vector<65536xf32>,
    %get3A_40 = arith.constant 3 : index
    %get3A_41 = arith.constant 0 : index
    %get3A_42 = vector.load %arg2[%get3A_40, %get3A_41] : memref<16x65536xf32, #tpu.memory_space<vmem>>, vector<1x65536xf32>
    %get3A_43 = vector.shape_cast %get3A_42 : vector<1x65536xf32> to vector<65536xf32>
    %swap3A_44 = arith.constant 196608 : index
    %swap3A_45 = vector.load %arg4[%swap3A_44] : memref<1048576xf32, #tpu.memory_space<vmem>>, vector<65536xf32>
    tpu.vector_store %arg4[%swap3A_44], %get3A_43 {strides = array<i32>} : memref<1048576xf32, #tpu.memory_space<vmem>>, vector<65536xf32>,
    %get3A_46 = arith.constant 4 : index
    %get3A_47 = arith.constant 0 : index
    %get3A_48 = vector.load %arg1[%get3A_46, %get3A_47] : memref<16x65536xf32, #tpu.memory_space<vmem>>, vector<1x65536xf32>
    %get3A_49 = vector.shape_cast %get3A_48 : vector<1x65536xf32> to vector<65536xf32>
    %swap3A_50 = arith.constant 262144 : index
    %swap3A_51 = vector.load %arg3[%swap3A_50] : memref<1048576xf32, #tpu.memory_space<vmem>>, vector<65536xf32>
    tpu.vector_store %arg3[%swap3A_50], %get3A_49 {strides = array<i32>} : memref<1048576xf32, #tpu.memory_space<vmem>>, vector<65536xf32>,
    %get3A_52 = arith.constant 4 : index
    %get3A_53 = arith.constant 0 : index
    %get3A_54 = vector.load %arg2[%get3A_52, %get3A_53] : memref<16x65536xf32, #tpu.memory_space<vmem>>, vector<1x65536xf32>
    %get3A_55 = vector.shape_cast %get3A_54 : vector<1x65536xf32> to vector<65536xf32>
    %swap3A_56 = arith.constant 262144 : index
    %swap3A_57 = vector.load %arg4[%swap3A_56] : memref<1048576xf32, #tpu.memory_space<vmem>>, vector<65536xf32>
    tpu.vector_store %arg4[%swap3A_56], %get3A_55 {strides = array<i32>} : memref<1048576xf32, #tpu.memory_space<vmem>>, vector<65536xf32>,
    %get3A_58 = arith.constant 5 : index
    %get3A_59 = arith.constant 0 : index
    %get3A_60 = vector.load %arg1[%get3A_58, %get3A_59] : memref<16x65536xf32, #tpu.memory_space<vmem>>, vector<1x65536xf32>
    %get3A_61 = vector.shape_cast %get3A_60 : vector<1x65536xf32> to vector<65536xf32>
    %swap3A_62 = arith.constant 327680 : index
    %swap3A_63 = vector.load %arg3[%swap3A_62] : memref<1048576xf32, #tpu.memory_space<vmem>>, vector<65536xf32>
    tpu.vector_store %arg3[%swap3A_62], %get3A_61 {strides = array<i32>} : memref<1048576xf32, #tpu.memory_space<vmem>>, vector<65536xf32>,
    %get3A_64 = arith.constant 5 : index
    %get3A_65 = arith.constant 0 : index
    %get3A_66 = vector.load %arg2[%get3A_64, %get3A_65] : memref<16x65536xf32, #tpu.memory_space<vmem>>, vector<1x65536xf32>
    %get3A_67 = vector.shape_cast %get3A_66 : vector<1x65536xf32> to vector<65536xf32>
    %swap3A_68 = arith.constant 327680 : index
    %swap3A_69 = vector.load %arg4[%swap3A_68] : memref<1048576xf32, #tpu.memory_space<vmem>>, vector<65536xf32>
    tpu.vector_store %arg4[%swap3A_68], %get3A_67 {strides = array<i32>} : memref<1048576xf32, #tpu.memory_space<vmem>>, vector<65536xf32>,
    %get3A_70 = arith.constant 6 : index
    %get3A_71 = arith.constant 0 : index
    %get3A_72 = vector.load %arg1[%get3A_70, %get3A_71] : memref<16x65536xf32, #tpu.memory_space<vmem>>, vector<1x65536xf32>
    %get3A_73 = vector.shape_cast %get3A_72 : vector<1x65536xf32> to vector<65536xf32>
    %swap3A_74 = arith.constant 393216 : index
    %swap3A_75 = vector.load %arg3[%swap3A_74] : memref<1048576xf32, #tpu.memory_space<vmem>>, vector<65536xf32>
    tpu.vector_store %arg3[%swap3A_74], %get3A_73 {strides = array<i32>} : memref<1048576xf32, #tpu.memory_space<vmem>>, vector<65536xf32>,
    %get3A_76 = arith.constant 6 : index
    %get3A_77 = arith.constant 0 : index
    %get3A_78 = vector.load %arg2[%get3A_76, %get3A_77] : memref<16x65536xf32, #tpu.memory_space<vmem>>, vector<1x65536xf32>
    %get3A_79 = vector.shape_cast %get3A_78 : vector<1x65536xf32> to vector<65536xf32>
    %swap3A_80 = arith.constant 393216 : index
    %swap3A_81 = vector.load %arg4[%swap3A_80] : memref<1048576xf32, #tpu.memory_space<vmem>>, vector<65536xf32>
    tpu.vector_store %arg4[%swap3A_80], %get3A_79 {strides = array<i32>} : memref<1048576xf32, #tpu.memory_space<vmem>>, vector<65536xf32>,
    %get3A_82 = arith.constant 7 : index
    %get3A_83 = arith.constant 0 : index
    %get3A_84 = vector.load %arg1[%get3A_82, %get3A_83] : memref<16x65536xf32, #tpu.memory_space<vmem>>, vector<1x65536xf32>
    %get3A_85 = vector.shape_cast %get3A_84 : vector<1x65536xf32> to vector<65536xf32>
    %swap3A_86 = arith.constant 458752 : index
    %swap3A_87 = vector.load %arg3[%swap3A_86] : memref<1048576xf32, #tpu.memory_space<vmem>>, vector<65536xf32>
    tpu.vector_store %arg3[%swap3A_86], %get3A_85 {strides = array<i32>} : memref<1048576xf32, #tpu.memory_space<vmem>>, vector<65536xf32>,
    %get3A_88 = arith.constant 7 : index
    %get3A_89 = arith.constant 0 : index
    %get3A_90 = vector.load %arg2[%get3A_88, %get3A_89] : memref<16x65536xf32, #tpu.memory_space<vmem>>, vector<1x65536xf32>
    %get3A_91 = vector.shape_cast %get3A_90 : vector<1x65536xf32> to vector<65536xf32>
    %swap3A_92 = arith.constant 458752 : index
    %swap3A_93 = vector.load %arg4[%swap3A_92] : memref<1048576xf32, #tpu.memory_space<vmem>>, vector<65536xf32>
    tpu.vector_store %arg4[%swap3A_92], %get3A_91 {strides = array<i32>} : memref<1048576xf32, #tpu.memory_space<vmem>>, vector<65536xf32>,
    %get3A_94 = arith.constant 8 : index
    %get3A_95 = arith.constant 0 : index
    %get3A_96 = vector.load %arg1[%get3A_94, %get3A_95] : memref<16x65536xf32, #tpu.memory_space<vmem>>, vector<1x65536xf32>
    %get3A_97 = vector.shape_cast %get3A_96 : vector<1x65536xf32> to vector<65536xf32>
    %swap3A_98 = arith.constant 524288 : index
    %swap3A_99 = vector.load %arg3[%swap3A_98] : memref<1048576xf32, #tpu.memory_space<vmem>>, vector<65536xf32>
    tpu.vector_store %arg3[%swap3A_98], %get3A_97 {strides = array<i32>} : memref<1048576xf32, #tpu.memory_space<vmem>>, vector<65536xf32>,
    %get3A_100 = arith.constant 8 : index
    %get3A_101 = arith.constant 0 : index
    %get3A_102 = vector.load %arg2[%get3A_100, %get3A_101] : memref<16x65536xf32, #tpu.memory_space<vmem>>, vector<1x65536xf32>
    %get3A_103 = vector.shape_cast %get3A_102 : vector<1x65536xf32> to vector<65536xf32>
    %swap3A_104 = arith.constant 524288 : index
    %swap3A_105 = vector.load %arg4[%swap3A_104] : memref<1048576xf32, #tpu.memory_space<vmem>>, vector<65536xf32>
    tpu.vector_store %arg4[%swap3A_104], %get3A_103 {strides = array<i32>} : memref<1048576xf32, #tpu.memory_space<vmem>>, vector<65536xf32>,
    %get3A_106 = arith.constant 9 : index
    %get3A_107 = arith.constant 0 : index
    %get3A_108 = vector.load %arg1[%get3A_106, %get3A_107] : memref<16x65536xf32, #tpu.memory_space<vmem>>, vector<1x65536xf32>
    %get3A_109 = vector.shape_cast %get3A_108 : vector<1x65536xf32> to vector<65536xf32>
    %swap3A_110 = arith.constant 589824 : index
    %swap3A_111 = vector.load %arg3[%swap3A_110] : memref<1048576xf32, #tpu.memory_space<vmem>>, vector<65536xf32>
    tpu.vector_store %arg3[%swap3A_110], %get3A_109 {strides = array<i32>} : memref<1048576xf32, #tpu.memory_space<vmem>>, vector<65536xf32>,
    %get3A_112 = arith.constant 9 : index
    %get3A_113 = arith.constant 0 : index
    %get3A_114 = vector.load %arg2[%get3A_112, %get3A_113] : memref<16x65536xf32, #tpu.memory_space<vmem>>, vector<1x65536xf32>
    %get3A_115 = vector.shape_cast %get3A_114 : vector<1x65536xf32> to vector<65536xf32>
    %swap3A_116 = arith.constant 589824 : index
    %swap3A_117 = vector.load %arg4[%swap3A_116] : memref<1048576xf32, #tpu.memory_space<vmem>>, vector<65536xf32>
    tpu.vector_store %arg4[%swap3A_116], %get3A_115 {strides = array<i32>} : memref<1048576xf32, #tpu.memory_space<vmem>>, vector<65536xf32>,
    %get3A_118 = arith.constant 10 : index
    %get3A_119 = arith.constant 0 : index
    %get3A_120 = vector.load %arg1[%get3A_118, %get3A_119] : memref<16x65536xf32, #tpu.memory_space<vmem>>, vector<1x65536xf32>
    %get3A_121 = vector.shape_cast %get3A_120 : vector<1x65536xf32> to vector<65536xf32>
    %swap3A_122 = arith.constant 655360 : index
    %swap3A_123 = vector.load %arg3[%swap3A_122] : memref<1048576xf32, #tpu.memory_space<vmem>>, vector<65536xf32>
    tpu.vector_store %arg3[%swap3A_122], %get3A_121 {strides = array<i32>} : memref<1048576xf32, #tpu.memory_space<vmem>>, vector<65536xf32>,
    %get3A_124 = arith.constant 10 : index
    %get3A_125 = arith.constant 0 : index
    %get3A_126 = vector.load %arg2[%get3A_124, %get3A_125] : memref<16x65536xf32, #tpu.memory_space<vmem>>, vector<1x65536xf32>
    %get3A_127 = vector.shape_cast %get3A_126 : vector<1x65536xf32> to vector<65536xf32>
    %swap3A_128 = arith.constant 655360 : index
    %swap3A_129 = vector.load %arg4[%swap3A_128] : memref<1048576xf32, #tpu.memory_space<vmem>>, vector<65536xf32>
    tpu.vector_store %arg4[%swap3A_128], %get3A_127 {strides = array<i32>} : memref<1048576xf32, #tpu.memory_space<vmem>>, vector<65536xf32>,
    %get3A_130 = arith.constant 11 : index
    %get3A_131 = arith.constant 0 : index
    %get3A_132 = vector.load %arg1[%get3A_130, %get3A_131] : memref<16x65536xf32, #tpu.memory_space<vmem>>, vector<1x65536xf32>
    %get3A_133 = vector.shape_cast %get3A_132 : vector<1x65536xf32> to vector<65536xf32>
    %swap3A_134 = arith.constant 720896 : index
    %swap3A_135 = vector.load %arg3[%swap3A_134] : memref<1048576xf32, #tpu.memory_space<vmem>>, vector<65536xf32>
    tpu.vector_store %arg3[%swap3A_134], %get3A_133 {strides = array<i32>} : memref<1048576xf32, #tpu.memory_space<vmem>>, vector<65536xf32>,
    %get3A_136 = arith.constant 11 : index
    %get3A_137 = arith.constant 0 : index
    %get3A_138 = vector.load %arg2[%get3A_136, %get3A_137] : memref<16x65536xf32, #tpu.memory_space<vmem>>, vector<1x65536xf32>
    %get3A_139 = vector.shape_cast %get3A_138 : vector<1x65536xf32> to vector<65536xf32>
    %swap3A_140 = arith.constant 720896 : index
    %swap3A_141 = vector.load %arg4[%swap3A_140] : memref<1048576xf32, #tpu.memory_space<vmem>>, vector<65536xf32>
    tpu.vector_store %arg4[%swap3A_140], %get3A_139 {strides = array<i32>} : memref<1048576xf32, #tpu.memory_space<vmem>>, vector<65536xf32>,
    %get3A_142 = arith.constant 12 : index
    %get3A_143 = arith.constant 0 : index
    %get3A_144 = vector.load %arg1[%get3A_142, %get3A_143] : memref<16x65536xf32, #tpu.memory_space<vmem>>, vector<1x65536xf32>
    %get3A_145 = vector.shape_cast %get3A_144 : vector<1x65536xf32> to vector<65536xf32>
    %swap3A_146 = arith.constant 786432 : index
    %swap3A_147 = vector.load %arg3[%swap3A_146] : memref<1048576xf32, #tpu.memory_space<vmem>>, vector<65536xf32>
    tpu.vector_store %arg3[%swap3A_146], %get3A_145 {strides = array<i32>} : memref<1048576xf32, #tpu.memory_space<vmem>>, vector<65536xf32>,
    %get3A_148 = arith.constant 12 : index
    %get3A_149 = arith.constant 0 : index
    %get3A_150 = vector.load %arg2[%get3A_148, %get3A_149] : memref<16x65536xf32, #tpu.memory_space<vmem>>, vector<1x65536xf32>
    %get3A_151 = vector.shape_cast %get3A_150 : vector<1x65536xf32> to vector<65536xf32>
    %swap3A_152 = arith.constant 786432 : index
    %swap3A_153 = vector.load %arg4[%swap3A_152] : memref<1048576xf32, #tpu.memory_space<vmem>>, vector<65536xf32>
    tpu.vector_store %arg4[%swap3A_152], %get3A_151 {strides = array<i32>} : memref<1048576xf32, #tpu.memory_space<vmem>>, vector<65536xf32>,
    %get3A_154 = arith.constant 13 : index
    %get3A_155 = arith.constant 0 : index
    %get3A_156 = vector.load %arg1[%get3A_154, %get3A_155] : memref<16x65536xf32, #tpu.memory_space<vmem>>, vector<1x65536xf32>
    %get3A_157 = vector.shape_cast %get3A_156 : vector<1x65536xf32> to vector<65536xf32>
    %swap3A_158 = arith.constant 851968 : index
    %swap3A_159 = vector.load %arg3[%swap3A_158] : memref<1048576xf32, #tpu.memory_space<vmem>>, vector<65536xf32>
    tpu.vector_store %arg3[%swap3A_158], %get3A_157 {strides = array<i32>} : memref<1048576xf32, #tpu.memory_space<vmem>>, vector<65536xf32>,
    %get3A_160 = arith.constant 13 : index
    %get3A_161 = arith.constant 0 : index
    %get3A_162 = vector.load %arg2[%get3A_160, %get3A_161] : memref<16x65536xf32, #tpu.memory_space<vmem>>, vector<1x65536xf32>
    %get3A_163 = vector.shape_cast %get3A_162 : vector<1x65536xf32> to vector<65536xf32>
    %swap3A_164 = arith.constant 851968 : index
    %swap3A_165 = vector.load %arg4[%swap3A_164] : memref<1048576xf32, #tpu.memory_space<vmem>>, vector<65536xf32>
    tpu.vector_store %arg4[%swap3A_164], %get3A_163 {strides = array<i32>} : memref<1048576xf32, #tpu.memory_space<vmem>>, vector<65536xf32>,
    %get3A_166 = arith.constant 14 : index
    %get3A_167 = arith.constant 0 : index
    %get3A_168 = vector.load %arg1[%get3A_166, %get3A_167] : memref<16x65536xf32, #tpu.memory_space<vmem>>, vector<1x65536xf32>
    %get3A_169 = vector.shape_cast %get3A_168 : vector<1x65536xf32> to vector<65536xf32>
    %swap3A_170 = arith.constant 917504 : index
    %swap3A_171 = vector.load %arg3[%swap3A_170] : memref<1048576xf32, #tpu.memory_space<vmem>>, vector<65536xf32>
    tpu.vector_store %arg3[%swap3A_170], %get3A_169 {strides = array<i32>} : memref<1048576xf32, #tpu.memory_space<vmem>>, vector<65536xf32>,
    %get3A_172 = arith.constant 14 : index
    %get3A_173 = arith.constant 0 : index
    %get3A_174 = vector.load %arg2[%get3A_172, %get3A_173] : memref<16x65536xf32, #tpu.memory_space<vmem>>, vector<1x65536xf32>
    %get3A_175 = vector.shape_cast %get3A_174 : vector<1x65536xf32> to vector<65536xf32>
    %swap3A_176 = arith.constant 917504 : index
    %swap3A_177 = vector.load %arg4[%swap3A_176] : memref<1048576xf32, #tpu.memory_space<vmem>>, vector<65536xf32>
    tpu.vector_store %arg4[%swap3A_176], %get3A_175 {strides = array<i32>} : memref<1048576xf32, #tpu.memory_space<vmem>>, vector<65536xf32>,
    %get3A_178 = arith.constant 15 : index
    %get3A_179 = arith.constant 0 : index
    %get3A_180 = vector.load %arg1[%get3A_178, %get3A_179] : memref<16x65536xf32, #tpu.memory_space<vmem>>, vector<1x65536xf32>
    %get3A_181 = vector.shape_cast %get3A_180 : vector<1x65536xf32> to vector<65536xf32>
    %swap3A_182 = arith.constant 983040 : index
    %swap3A_183 = vector.load %arg3[%swap3A_182] : memref<1048576xf32, #tpu.memory_space<vmem>>, vector<65536xf32>
    tpu.vector_store %arg3[%swap3A_182], %get3A_181 {strides = array<i32>} : memref<1048576xf32, #tpu.memory_space<vmem>>, vector<65536xf32>,
    %get3A_184 = arith.constant 15 : index
    %get3A_185 = arith.constant 0 : index
    %get3A_186 = vector.load %arg2[%get3A_184, %get3A_185] : memref<16x65536xf32, #tpu.memory_space<vmem>>, vector<1x65536xf32>
    %get3A_187 = vector.shape_cast %get3A_186 : vector<1x65536xf32> to vector<65536xf32>
    %swap3A_188 = arith.constant 983040 : index
    %swap3A_189 = vector.load %arg4[%swap3A_188] : memref<1048576xf32, #tpu.memory_space<vmem>>, vector<65536xf32>
    tpu.vector_store %arg4[%swap3A_188], %get3A_187 {strides = array<i32>} : memref<1048576xf32, #tpu.memory_space<vmem>>, vector<65536xf32>,
    return
  }
  func.func @transform_0(%arg0: i32) -> (i32, i32) {
    %c0_i32 = arith.constant 0 : i32
    %c0_i32_0 = arith.constant 0 : i32
    return %c0_i32, %arg0 : i32, i32
  }
  func.func @transform_1(%arg0: i32) -> (i32, i32) {
    %c0_i32 = arith.constant 0 : i32
    %c0_i32_0 = arith.constant 0 : i32
    return %c0_i32, %arg0 : i32, i32
  }
  func.func @transform_2(%arg0: i32) -> i32 {
    %c0_i32 = arith.constant 0 : i32
    return %arg0 : i32
  }
  func.func @transform_3(%arg0: i32) -> i32 {
    %c0_i32 = arith.constant 0 : i32
    return %arg0 : i32
  }
}

</mosaic_0001>

<sc_bundles>
// kernel: kernel.4.cloned.1.call-start
scs
__scs_entry_jumppad:
0x0: {  	(pc) =	sbr.rel $0x88, $3  }
0x1: {  	(tag) =	ssettag $0x0;
	lr =	simm.s32 $0x1  }
0x2: {  	[smem:$0x3F9C] =	sst lr;
	_ =	strace $0xD0000000  }
0x3: {  	_ = 	snop  }
0x4: {  	_ = 	snop  }
0x5: {  	_ = 	snop  }
0x6: {  	_ = 	snop  }
0x7: {  	_ = 	snop  }
__scs_overlays_trampoline_lowered:
0x8: {  	[smem:$0x3FAB] =	sst s0  }
0x9: {  	[smem:$0x3FAC] =	sst s1  }
0xa: {  	[smem:$0x3FAD] =	sst s2  }
0xb: {  	[smem:$0x3FAE] =	sst s3  }
0xc: {  	[smem:$0x3FAF] =	sst s4  }
0xd: {  	[smem:$0x3FB0] =	sst s5  }
0xe: {  	[smem:$0x3FB1] =	sst s6  }
0xf: {  	[smem:$0x3FB2] =	sst s7  }
0x10: {  	[smem:$0x3FB3] =	sst s8  }
0x11: {  	[smem:$0x3FB4] =	sst s9;
	s0 =	simm.s32 @!p0 $0x0  }
0x12: {  	s1 =	sld [smem:$0x3F9A];
	s0 =	simm.s32 @p0 $0x1  }
0x13: {  	[smem:$0x3FB5] =	sst s0;
	s0 =	simm.s32 @!p1 $0x0  }
0x14: {  	s2 =	sld [smem:$0x3F99];
	s0 =	simm.s32 @p1 $0x1  }
0x15: {  	[smem:$0x3FB6] =	sst s0;
	s0 =	simm.s32 @!p2 $0x0  }
0x16: {  	s3 =	sld [smem:$0x3FDB];
	s0 =	simm.s32 @p2 $0x1  }
0x17: {  	s4 =	simm.s32 $0x1BF5;
	[smem:$0x3FB8] =	sst s0  }
0x18: {  	s0 =	sld [smem:$0x3F9B];
	_ =	swait.ge [sflag:s4], $0x0  }
0x19: {  	s7 =	sld [smem:$0x3F9C]  }
0x1a: {  	s8 =	sadd.s32 $0xFFFFE003, lr  }
0x1b: {  	s9 =	sadd.s32 $0xFFFFFEF7, lr;
	s5 =	simm.s32 $0xFFFFFFFF;
	p2 =	slt.u32 s8, $0xFFFFF086  }
0x1c: {  	p1 =	slt.u32 s9, $0xF7A;
	s5 =	simm.s32 @!p2 $0x0  }
0x1d: {  	s5 =	simm.s32 @p1 $0x1;
	p0 =	seq.s32 s7, s2  }
0x1e: {  	s7 =	smul.u32 @!p0 $0xF7A, s2;
	p2 =	seq.s32 @!p0 s5, $0x0  }
0x1f: {  	s9 =	smul.u32 $0xF7A, s1;
	s8 =	simm.s32 @!p0 $0x1BF5;
	p2 =	por !p2, p0  }
0x20: {  	[sflag:s8] =	ssyncset.s32 @!p0 $0xFFFFF086;
	s6 =	sadd.s32 @!p0 s3, s7;
	s7 =	simm.s32 @!p0 $0x108  }
0x21: {  	s3 =	sadd.s32 s3, s9;
	s6 =	sadd.s32 @!p0 $0x88, s6;
	s7 =	simm.s32 @p2 $0x1082  }
0x22: {  	[simem:s7], [sflag:s8] =	dma.local @!p0 [hbm:s6], $0xF7A  }
0x23: {  	s9 =	sor.u32 $0xD0000000, s2;
	s6 =	simm.s32 $0x108;
	_ =	swait.ge @!p0 [sflag:s8], $0x0  }
0x24: {  	s3 =	sadd.s32 $0x88, s3;
	s6 =	simm.s32 @!p1 $0x1082;
	[sflag:s4] =	ssyncset.s32 $0xFFFFF086  }
0x25: {  	[simem:s6], [sflag:s4] =	dma.local [hbm:s3], $0xF7A  }
0x26: {  	[smem:$0x3F9C] =	sst s1;
	(tag) =	ssettag s2;
	_ =	strace s9  }
0x27: {  	s1 =	sld [smem:$0x3FAC]  }
0x28: {  	s2 =	sld [smem:$0x3FAD]  }
0x29: {  	s4 =	sld [smem:$0x3FAF]  }
0x2a: {  	p0 =	seq.s32 s5, $0x0;
	s5 =	sld [smem:$0x3FB0]  }
0x2b: {  	s6 =	sld [smem:$0x3FB1]  }
0x2c: {  	s7 =	sld [smem:$0x3FB2]  }
0x2d: {  	s3 =	simm.s32 $0x108;
	s8 =	sld [smem:$0x3FB3]  }
0x2e: {  	s3 =	simm.s32 @!p0 $0x1082;
	s9 =	sld [smem:$0x3FB4]  }
0x2f: {  	lr =	sadd.s32 s0, s3;
	s0 =	sld [smem:$0x3FAB]  }
0x30: {  	s3 =	sld [smem:$0x3FAE]  }
0x31: {  	[smem:$0x3FB7] =	sst s10  }
0x32: {  	s10 =	sld [smem:$0x3FB5];
	_ =	sdelay $0x3  }
0x33: {  	p0 =	seq.s32 s10, $0x1;
	s10 =	sld [smem:$0x3FB7];
	_ =	sdelay $0x3  }
0x34: {  	[smem:$0x3FB7] =	sst s10  }
0x35: {  	s10 =	sld [smem:$0x3FB6];
	_ =	sdelay $0x3  }
0x36: {  	p1 =	seq.s32 s10, $0x1;
	s10 =	sld [smem:$0x3FB7];
	_ =	sdelay $0x3  }
0x37: {  	[smem:$0x3FB7] =	sst s10  }
0x38: {  	s10 =	sld [smem:$0x3FB8]  }
0x39: {  	_ = 	snop;
	(pc) =	sbr.ind lr, $3  }
0x3a: {  	_ = 	snop  }
0x3b: {  	_ = 	snop  }
0x3c: {  	p2 =	seq.s32 s10, $0x1;
	s10 =	sld [smem:$0x3FB7]  }
0x3d: {  	_ =	shalt  }
0x3e: {  	_ =	shalt  }
0x3f: {  	_ =	shalt  }
0x40: {  	_ =	shalt  }
0x41: {  	_ =	shalt  }
0x42: {  	_ =	shalt  }
0x43: {  	_ =	shalt  }
0x44: {  	_ =	shalt  }
0x45: {  	_ =	shalt  }
0x46: {  	_ =	shalt  }
0x47: {  	_ =	shalt  }
0x48: {  	_ =	shalt  }
0x49: {  	_ =	shalt  }
0x4a: {  	_ =	shalt  }
0x4b: {  	_ =	shalt  }
0x4c: {  	_ =	shalt  }
0x4d: {  	_ =	shalt  }
0x4e: {  	_ =	shalt  }
0x4f: {  	_ =	shalt  }
0x50: {  	_ =	shalt  }
0x51: {  	_ =	shalt  }
0x52: {  	_ =	shalt  }
0x53: {  	_ =	shalt  }
0x54: {  	_ =	shalt  }
0x55: {  	_ =	shalt  }
0x56: {  	_ =	shalt  }
0x57: {  	_ =	shalt  }
0x58: {  	_ =	shalt  }
0x59: {  	_ =	shalt  }
0x5a: {  	_ =	shalt  }
0x5b: {  	_ =	shalt  }
0x5c: {  	_ =	shalt  }
0x5d: {  	_ =	shalt  }
0x5e: {  	_ =	shalt  }
0x5f: {  	_ =	shalt  }
0x60: {  	_ =	shalt  }
0x61: {  	_ =	shalt  }
0x62: {  	_ =	shalt  }
0x63: {  	_ =	shalt  }
0x64: {  	_ =	shalt  }
0x65: {  	_ =	shalt  }
0x66: {  	_ =	shalt  }
0x67: {  	_ =	shalt  }
0x68: {  	_ =	shalt  }
0x69: {  	_ =	shalt  }
0x6a: {  	_ =	shalt  }
0x6b: {  	_ =	shalt  }
0x6c: {  	_ =	shalt  }
0x6d: {  	_ =	shalt  }
0x6e: {  	_ =	shalt  }
0x6f: {  	_ =	shalt  }
0x70: {  	_ =	shalt  }
0x71: {  	_ =	shalt  }
0x72: {  	_ =	shalt  }
0x73: {  	_ =	shalt  }
0x74: {  	_ =	shalt  }
0x75: {  	_ =	shalt  }
0x76: {  	_ =	shalt  }
0x77: {  	_ =	shalt  }
0x78: {  	_ =	shalt  }
0x79: {  	_ =	shalt  }
0x7a: {  	_ =	shalt  }
0x7b: {  	_ =	shalt  }
0x7c: {  	_ =	shalt  }
0x7d: {  	_ =	shalt  }
0x7e: {  	_ =	shalt  }
0x7f: {  	_ =	shalt  }
0x80: {  	_ =	shalt  }
0x81: {  	_ =	shalt  }
0x82: {  	_ =	shalt  }
0x83: {  	_ =	shalt  }
0x84: {  	_ =	shalt  }
0x85: {  	_ =	shalt  }
0x86: {  	_ =	shalt  }
0x87: {  	_ =	shalt  }
.Lfunc_end0:
.L_simem_size_0:
called_computation_lowered:
.L_overlay_start_0:
0x88: {  	s2 =	sld [smem:$0x3FD9]  }
0x89: {  	s3 =	sld [smem:$0x3FFE];
	_ =	sdelay $0x1  }
0x8a: {  	s1 =	srdreg.scid  }
0x8b: {  	s0 =	sand.u32 $0x1, s1  }
0x8c: {  	s17 =	sshll.u32 s0, $0xA;
	s2 =	sadd.s32 s3, s2  }
0x8d: {  	s2 =	sadd.s32 s2, s17  }
0x8e: {  	[smem:$0x3FC3] =	sst s2  }
0x8f: {  	_ = 	snop  }
0x90: {  	s2 =	sld [smem:$0x3FD0];
	(tm) =	ssettm $0x1  }
0x91: {  	s18 =	sld [smem:$0x3FFB];
	_ =	sdelay $0x3  }
0x92: {  	_ =	strace s18  }
0x93: {  	s3 =	sld [smem:$0x3FFC];
	_ =	sdelay $0x3  }
0x94: {  	_ =	strace s3  }
0x95: {  	s3 =	sld [smem:$0x3FFD];
	_ =	sdelay $0x3  }
0x96: {  	_ =	strace s3  }
0x97: {  	_ =	strace $0x8FFFFFFF  }
0x98: {  	s19 =	sld [smem:$0x3FDB];
	_ =	sdelay $0x1  }
0x99: {  	s4 =	simm.s32 $_scs_section_size  }
0x9a: {  	s5 =	simm.s32 $_size__tile_overlayer_lowered;
	s6 =	simm.s32 $_tile_overlayer_lowered  }
0x9b: {  	s22 =	simm.s32 $0x1BFF;
	s21 =	sshll.u32 s6, $0x1;
	s3 =	sadd.s32 s4, s19  }
0x9c: {  	s7 =	simm.s32 $0x0;
	s20 =	sshll.u32 s5, $0x1;
	s5 =	sadd.s32 s21, s3  }
0x9d: {  	[timem:s7], [sflag:s22] =	dma.local [hbm:s5], s20  }
0x9e: {  	_ =	swait.ge [sflag:s22], s20  }
0x9f: {  	s4 =	ssub.s32 $0x0, s20;
	[sflag:s22] =	ssyncset.done $0x0  }
0xa0: {  	[sflag:s22] =	ssyncadd.s32 s4;
	_ =	sdelay $0x1  }
0xa1: {  	s23 =	simm.s32 $0x1B8B  }
0xa2: {  	_ =	swait.ge [sflag:s23], $0x1  }
0xa3: {  	[sflag:s23] =	ssyncset.done $0x0  }
0xa4: {  	s25 =	simm.s32 $0x1B8E;
	s24 =	sld [smem:$0x3FFE];
	[sflag:s23] =	ssyncadd.s32 $0xFFFFFFFF  }
0xa5: {  	s26 =	simm.s32 $execute0_lowered;
	[smem:$0x3FD2] =	sst s25  }
0xa6: {  	s5 =	sshll.u32 s26, $0x1;
	_ =	strace $0x80000046;
	[dreg:$0x1] =	wrdreg $0xFFFFFFFF  }
0xa7: {  	s28 =	simm.s32 $_size_execute0_lowered;
	s3 =	sadd.s32 s3, s5;
	[dreg:$0x0] =	wrdreg $0x0  }
0xa8: {  	s5 =	sshll.u32 s28, $0x1;
	[dreg:$0x2] =	wrdreg s3  }
0xa9: {  	[dreg:$0x3] =	wrdreg s5  }
0xaa: {  	[dreg:$0x4] =	wrdreg $0xC0  }
0xab: {  	_ =	task [dreg:s7], $0x5FFFF  }
0xac: {  	[dreg:$0x1] =	wrdreg $0xFFFFFFFF  }
0xad: {  	[dreg:$0x0] =	wrdreg $0x60  }
0xae: {  	[dreg:$0x2] =	wrdreg s24  }
0xaf: {  	[dreg:$0x3] =	wrdreg s2  }
0xb0: {  	[dreg:$0x4] =	wrdreg $0x9  }
0xb1: {  	_ =	task.clear_ibuf [dreg:s7], $0x5FFFF;
	_ =	strace $0x90000046  }
0xb2: {  	s29 =	simm.s32 $0x9;
	_ =	strace $0x80000048  }
0xb3: {  	_ =	swait.ge [sflag:s29], $0x1  }
0xb4: {  	[sflag:s29] =	ssyncadd.s32 $0xFFFFFFFF  }
0xb5: {  	_ =	strace $0x90000048  }
0xb6: {  	_ =	sfence  }
0xb7: {  	s30 =	sld [smem:$0x0];
	_ =	sdelay $0x2  }
0xb8: {  	s31 =	sshll.u32 s1, $0xD;
	s1 =	sshrl.u32 s1, $0x2  }
0xb9: {  	s3 =	sand.u32 $0x4000, s31;
	s1 =	sadd.s32 s1, s30  }
0xba: {  	s0 =	sor.u32 s3, s0;
	s1 =	sshll.u32 s1, $0x11  }
0xbb: {  	s0 =	sor.u32 s1, s0  }
0xbc: {  	s0 =	sadd.s32 $0x8F2B, s0  }
0xbd: {  	[sflag:s0] =	ssyncadd.remote.s32 $0x1  }
0xbe: {  	_ =	sfence.sel $0xFFFF  }
0xbf: {  	[dreg:$0x0] =	wrdreg $0xFFFFFFFF;
	(pc) =	sbr.abs _section_cstart, $3  }
0xc0: {  	[dreg:$0x1] =	wrdreg $0xFFFFFFFF  }
0xc1: {  	_ =	task.clear_ibuf [dreg:s7], $0x2FFFF;
	_ =	strace $0x9FFFFFFF  }
0xc2: {  	(tm) =	ssettm $0x7FFFFFFF  }
0xc3: {  	_ =	shalt  }
tec
execute0_lowered:
.L_overlay_start_1:
0x0: {  	(tag) =	ssettag $0x1  }
0x1: {  	s0 =	rddreg [dreg:$0x0]  }
0x2: {  	s2 =	rddreg [dreg:$0x1];
	s1 =	simm.s32 $0x0;
	s4 =	srdreg.scid  }
0x3: {  	s5 =	stileid.u32;
	s11 =	simm.s32 $0x2;
	s12 =	simm.s32 $0x200  }
0x4: {  	s28 =	simm.s32 $0x1E00;
	s29 =	simm.s32 $0x5E00;
	s30 =	simm.s32 $0x3E00  }
0x5: {  	s31 =	simm.s32 $0x7E00;
	s13 =	simm.s32 $0x4000;
	s14 =	simm.s32 $0x8000  }
0x6: {  	s15 =	simm.s32 $0x2200;
	s16 =	simm.s32 $0x6200;
	s17 =	simm.s32 $0x4200  }
0x7: {  	s18 =	simm.s32 $0x8200;
	s19 =	simm.s32 $0x1;
	s20 =	simm.s32 $0x8800  }
0x8: {  	s21 =	simm.s32 $0x0;
	[smem:$0x7FF] =	sst s1;
	s3 =	sadd.s32 $0x3E400, s0  }
0x9: {  	s6 =	sand.u32 $0x1, s4;
	s4 =	sadd.s32 $0x23E400, s0;
	s7 =	sshll.u32 s5, $0x7  }
0xa: {  	s5 =	sadd.s32 $0x1000, s0;
	s8 =	sshll.u32 s6, $0x6;
	s9 =	ssub.s32 $0x2, s6  }
0xb: {  	_ =	strace $0x80000047;
	s10 =	sor.u32 s8, s7;
	s25 =	sshrl.u32 s9, $0x1  }
0xc: {  	s6 =	sadd.s32 $0x1FA00, s0;
	s7 =	sadd.s32 s0, s10;
	s26 =	ssub.s32 s9, s25  }
0xd: {  	s9 =	sadd.s32 s2, s10;
	s0 =	simm.s32 $0x2000;
	s2 =	simm.s32 $0x6000  }
0xe: {  	s8 =	sadd.s32 $0x800, s7;
	s10 =	smax.u32 s26, $0x1;
	s26 =	simm.s32 $0x7C00  }
.LBB2_1:
0xf: {  	[tilespmem:s1], [sflag:$0x2] =	stream.linear.gather [hbm4b:s8+s1], $0x200, $0x38;
	[tilespmem:$0x8A00] =	vst v63  }
0x10: {  	_ =	swait.ge [sflag:s11], $0x200  }
0x11: {  	[sflag:s11] =	ssyncset.done $0x0  }
0x12: {  	[sflag:s11] =	ssyncadd.s32 $0xFFFFFE00  }
0x13: {  	[tilespmem:s12], [sflag:$0x2] =	stream.linear.gather [hbm4b:s7+s1], $0x200, $0x38;
	[tilespmem:$0x8A00] =	vst v63  }
0x14: {  	_ =	swait.ge [sflag:s11], $0x200  }
0x15: {  	[sflag:s11] =	ssyncset.done $0x0  }
0x16: {  	s22 =	simm.s32 $0x0;
	[sflag:s11] =	ssyncadd.s32 $0xFFFFFE00  }
0x17: {  	v0 =	vld [tilespmem:s22+$0x200]  }
0x18: {  	v1 =	vld [tilespmem:s22+$0x0];
	_ =	sdelay $0x3  }
0x19: {  	v2 =	vshll.u32 v0, $0x4  }
0x1a: {  	v3 =	vshll.u32 v1, $0x4;
	v0 =	vand.u32 $0xFFFF, v0;
	v2 =	vand.u32 $0xFFF00000, v2  }
0x1b: {  	v1 =	vand.u32 $0xFFFF, v1;
	v3 =	vand.u32 $0xFFF00000, v3;
	v2 =	vor.u32 v0, v2  }
0x1c: {  	v0 =	vor.u32 v1, v3;
	[tilespmem:s22+$0x2400] =	vst v2;
	v1 =	vor.u32 $0xF0000, v2  }
0x1d: {  	v3 =	vor.u32 $0x10000, v0;
	[tilespmem:s22+$0x4200] =	vst v1  }
0x1e: {  	v6 =	vor.u32 $0xB0000, v0;
	[tilespmem:s22+$0x600] =	vst v3  }
0x1f: {  	v8 =	vor.u32 $0xB0000, v2;
	[tilespmem:s22+$0x1A00] =	vst v6  }
0x20: {  	v1 =	vor.u32 $0x10000, v2;
	[tilespmem:s22+$0x3A00] =	vst v8  }
0x21: {  	v3 =	vor.u32 $0x20000, v0;
	[tilespmem:s22+$0x2600] =	vst v1  }
0x22: {  	v1 =	vor.u32 $0x20000, v2;
	[tilespmem:s22+$0x800] =	vst v3  }
0x23: {  	v3 =	vor.u32 $0x30000, v0;
	[tilespmem:s22+$0x2800] =	vst v1  }
0x24: {  	v1 =	vor.u32 $0x30000, v2;
	[tilespmem:s22+$0xA00] =	vst v3  }
0x25: {  	v3 =	vor.u32 $0x40000, v0;
	[tilespmem:s22+$0x2A00] =	vst v1  }
0x26: {  	v1 =	vor.u32 $0x40000, v2;
	[tilespmem:s22+$0xC00] =	vst v3  }
0x27: {  	v3 =	vor.u32 $0x50000, v0;
	[tilespmem:s22+$0x2C00] =	vst v1  }
0x28: {  	v1 =	vor.u32 $0x50000, v2;
	[tilespmem:s22+$0xE00] =	vst v3  }
0x29: {  	v3 =	vor.u32 $0x60000, v0;
	[tilespmem:s22+$0x2E00] =	vst v1  }
0x2a: {  	v1 =	vor.u32 $0x60000, v2;
	[tilespmem:s22+$0x1000] =	vst v3  }
0x2b: {  	v3 =	vor.u32 $0x70000, v0;
	[tilespmem:s22+$0x3000] =	vst v1  }
0x2c: {  	v1 =	vor.u32 $0x70000, v2;
	[tilespmem:s22+$0x1200] =	vst v3  }
0x2d: {  	v3 =	vor.u32 $0x80000, v0;
	[tilespmem:s22+$0x3200] =	vst v1  }
0x2e: {  	v1 =	vor.u32 $0x80000, v2;
	[tilespmem:s22+$0x1400] =	vst v3  }
0x2f: {  	v3 =	vor.u32 $0x90000, v0;
	[tilespmem:s22+$0x3400] =	vst v1  }
0x30: {  	v1 =	vor.u32 $0x90000, v2;
	[tilespmem:s22+$0x1600] =	vst v3  }
0x31: {  	v7 =	vor.u32 $0xC0000, v0;
	v4 =	vor.u32 $0xC0000, v2;
	v3 =	vor.u32 $0xA0000, v0;
	[tilespmem:s22+$0x3600] =	vst v1  }
0x32: {  	v5 =	vor.u32 $0xD0000, v2;
	v6 =	vor.u32 $0xE0000, v0;
	v1 =	vor.u32 $0xA0000, v2;
	[tilespmem:s22+$0x1800] =	vst v3  }
0x33: {  	s23 =	simm.s32 $0x10;
	s24 =	simm.s32 $0x80;
	v3 =	vor.u32 $0xD0000, v0;
	v2 =	vor.u32 $0xE0000, v2;
	[tilespmem:s22+$0x3800] =	vst v1;
	v1 =	vor.u32 $0xF0000, v0  }
.LBB2_2:
0x34: {  	p0 =	sne.s32 s24, $0x7C0;
	v8 =	vld [tilespmem:s23+$0x200];
	[tilespmem:s22+$0x1C00] =	vst v7  }
0x35: {  	v7 =	vld [tilespmem:s23+$0x0];
	[tilespmem:s22+$0x3C00] =	vst v4  }
0x36: {  	[tilespmem:s22+$0x1E00] =	vst v3  }
0x37: {  	[tilespmem:s22+$0x3E00] =	vst v5  }
0x38: {  	[tilespmem:s22+$0x2000] =	vst v6  }
0x39: {  	v3 =	vshll.u32 v8, $0x4;
	[tilespmem:s22+$0x4000] =	vst v2  }
0x3a: {  	v4 =	vand.u32 $0xFFFF, v8;
	v2 =	vshll.u32 v7, $0x4;
	v3 =	vand.u32 $0xFFF00000, v3;
	[tilespmem:s22+$0x2200] =	vst v1  }
0x3b: {  	v1 =	vand.u32 $0xFFF00000, v2;
	v2 =	vand.u32 $0xFFFF, v7;
	v8 =	vor.u32 v4, v3;
	[tilespmem:s22+$0x400] =	vst v0;
	s22 =	smov.u32 s23  }
0x3c: {  	v0 =	vor.u32 v2, v1;
	[tilespmem:s22+$0x2400] =	vst v8;
	v1 =	vor.u32 $0x10000, v8;
	v2 =	vor.u32 $0xF0000, v8  }
0x3d: {  	v5 =	vor.u32 $0x20000, v8;
	v3 =	vor.u32 $0x10000, v0;
	v4 =	vor.u32 $0x20000, v0;
	[tilespmem:s22+$0x4200] =	vst v2  }
0x3e: {  	v2 =	vor.u32 $0x30000, v0;
	v6 =	vor.u32 $0x40000, v0;
	[tilespmem:s22+$0x600] =	vst v3;
	v3 =	vor.u32 $0x30000, v8  }
0x3f: {  	v10 =	vor.u32 $0x50000, v8;
	v9 =	vor.u32 $0x50000, v0;
	[tilespmem:s22+$0x2600] =	vst v1;
	v1 =	vor.u32 $0x40000, v8  }
0x40: {  	v12 =	vor.u32 $0x60000, v8;
	v11 =	vor.u32 $0x60000, v0;
	v13 =	vor.u32 $0x70000, v0;
	[tilespmem:s22+$0x800] =	vst v4  }
0x41: {  	v14 =	vor.u32 $0x70000, v8;
	v16 =	vor.u32 $0x80000, v8;
	v15 =	vor.u32 $0x80000, v0;
	[tilespmem:s22+$0x2800] =	vst v5  }
0x42: {  	v18 =	vor.u32 $0x90000, v8;
	v17 =	vor.u32 $0x90000, v0;
	v19 =	vor.u32 $0xA0000, v0;
	[tilespmem:s22+$0xA00] =	vst v2  }
0x43: {  	v20 =	vor.u32 $0xA0000, v8;
	v22 =	vor.u32 $0xB0000, v8;
	v21 =	vor.u32 $0xB0000, v0;
	[tilespmem:s22+$0x2A00] =	vst v3  }
0x44: {  	v7 =	vor.u32 $0xC0000, v0;
	v4 =	vor.u32 $0xC0000, v8;
	v3 =	vor.u32 $0xD0000, v0;
	[tilespmem:s22+$0xC00] =	vst v6  }
0x45: {  	v5 =	vor.u32 $0xD0000, v8;
	v2 =	vor.u32 $0xE0000, v8;
	v6 =	vor.u32 $0xE0000, v0;
	[tilespmem:s22+$0x2C00] =	vst v1  }
0x46: {  	v1 =	vor.u32 $0xF0000, v0;
	[tilespmem:s22+$0xE00] =	vst v9  }
0x47: {  	[tilespmem:s22+$0x2E00] =	vst v10  }
0x48: {  	[tilespmem:s22+$0x1000] =	vst v11  }
0x49: {  	[tilespmem:s22+$0x3000] =	vst v12  }
0x4a: {  	[tilespmem:s22+$0x1200] =	vst v13  }
0x4b: {  	[tilespmem:s22+$0x3200] =	vst v14  }
0x4c: {  	[tilespmem:s22+$0x1400] =	vst v15  }
0x4d: {  	[tilespmem:s22+$0x3400] =	vst v16  }
0x4e: {  	[tilespmem:s22+$0x1600] =	vst v17  }
.Ltmp0:
0x4f: {  	[tilespmem:s22+$0x3600] =	vst v18;
	(pc) =	sbr.rel @p0 .LBB2_2-.Ltmp0, $4  }
0x50: {  	[tilespmem:s22+$0x1800] =	vst v19  }
0x51: {  	[tilespmem:s22+$0x3800] =	vst v20  }
0x52: {  	[tilespmem:s22+$0x1A00] =	vst v21  }
0x53: {  	s23 =	sshra.s32 s24, $0x2;
	s24 =	sadd.s32 $0x40, s24;
	[tilespmem:s22+$0x3A00] =	vst v22  }
0x54: {  	v8 =	vld [tilespmem:s23+$0x200];
	[tilespmem:s22+$0x1C00] =	vst v7  }
0x55: {  	v7 =	vld [tilespmem:s23+$0x0];
	[tilespmem:s22+$0x3C00] =	vst v4  }
0x56: {  	[tilespmem:s22+$0x1E00] =	vst v3  }
0x57: {  	[tilespmem:s22+$0x3E00] =	vst v5  }
0x58: {  	[tilespmem:s22+$0x2000] =	vst v6  }
0x59: {  	[tilespmem:s22+$0x4000] =	vst v2;
	v3 =	vshll.u32 v8, $0x4  }
0x5a: {  	[tilespmem:s22+$0x2200] =	vst v1;
	v4 =	vand.u32 $0xFFFF, v8;
	v2 =	vshll.u32 v7, $0x4;
	v3 =	vand.u32 $0xFFF00000, v3  }
0x5b: {  	[tilespmem:s22+$0x400] =	vst v0;
	v1 =	vand.u32 $0xFFF00000, v2;
	v2 =	vand.u32 $0xFFFF, v7;
	v3 =	vor.u32 v4, v3  }
0x5c: {  	v0 =	vor.u32 v2, v1;
	[tilespmem:s23+$0x2400] =	vst v3;
	v1 =	vor.u32 $0xF0000, v3  }
0x5d: {  	[tilespmem:s23+$0x4200] =	vst v1  }
0x5e: {  	v2 =	vor.u32 $0x10000, v0;
	[tilespmem:s23+$0x400] =	vst v0  }
0x5f: {  	v1 =	vor.u32 $0x10000, v3;
	[tilespmem:s23+$0x600] =	vst v2  }
0x60: {  	v2 =	vor.u32 $0x20000, v0;
	[tilespmem:s23+$0x2600] =	vst v1  }
0x61: {  	v1 =	vor.u32 $0x20000, v3;
	[tilespmem:s23+$0x800] =	vst v2  }
0x62: {  	v2 =	vor.u32 $0x30000, v0;
	[tilespmem:s23+$0x2800] =	vst v1  }
0x63: {  	v1 =	vor.u32 $0x30000, v3;
	[tilespmem:s23+$0xA00] =	vst v2  }
0x64: {  	v2 =	vor.u32 $0x40000, v0;
	[tilespmem:s23+$0x2A00] =	vst v1  }
0x65: {  	v1 =	vor.u32 $0x40000, v3;
	[tilespmem:s23+$0xC00] =	vst v2  }
0x66: {  	v2 =	vor.u32 $0x50000, v0;
	[tilespmem:s23+$0x2C00] =	vst v1  }
0x67: {  	v1 =	vor.u32 $0x50000, v3;
	[tilespmem:s23+$0xE00] =	vst v2  }
0x68: {  	v2 =	vor.u32 $0x60000, v0;
	[tilespmem:s23+$0x2E00] =	vst v1  }
0x69: {  	v1 =	vor.u32 $0x60000, v3;
	[tilespmem:s23+$0x1000] =	vst v2  }
0x6a: {  	v2 =	vor.u32 $0x70000, v0;
	[tilespmem:s23+$0x3000] =	vst v1  }
0x6b: {  	v1 =	vor.u32 $0x70000, v3;
	[tilespmem:s23+$0x1200] =	vst v2  }
0x6c: {  	v2 =	vor.u32 $0x80000, v0;
	[tilespmem:s23+$0x3200] =	vst v1  }
0x6d: {  	v1 =	vor.u32 $0x80000, v3;
	[tilespmem:s23+$0x1400] =	vst v2  }
0x6e: {  	v2 =	vor.u32 $0x90000, v0;
	[tilespmem:s23+$0x3400] =	vst v1  }
0x6f: {  	v1 =	vor.u32 $0x90000, v3;
	[tilespmem:s23+$0x1600] =	vst v2  }
0x70: {  	v2 =	vor.u32 $0xA0000, v0;
	[tilespmem:s23+$0x3600] =	vst v1  }
0x71: {  	v1 =	vor.u32 $0xA0000, v3;
	[tilespmem:s23+$0x1800] =	vst v2  }
0x72: {  	v2 =	vor.u32 $0xB0000, v0;
	[tilespmem:s23+$0x3800] =	vst v1  }
0x73: {  	v1 =	vor.u32 $0xB0000, v3;
	[tilespmem:s23+$0x1A00] =	vst v2  }
0x74: {  	v2 =	vor.u32 $0xC0000, v0;
	[tilespmem:s23+$0x3A00] =	vst v1  }
0x75: {  	v1 =	vor.u32 $0xC0000, v3;
	[tilespmem:s23+$0x1C00] =	vst v2  }
0x76: {  	v2 =	vor.u32 $0xD0000, v0;
	[tilespmem:s23+$0x3C00] =	vst v1  }
0x77: {  	v1 =	vor.u32 $0xD0000, v3;
	[tilespmem:s23+$0x1E00] =	vst v2  }
0x78: {  	v2 =	vor.u32 $0xE0000, v0;
	[tilespmem:s23+$0x3E00] =	vst v1  }
0x79: {  	v1 =	vor.u32 $0xE0000, v3;
	[tilespmem:s23+$0x2000] =	vst v2  }
0x7a: {  	v2 =	vor.u32 $0xF0000, v0;
	[tilespmem:s23+$0x4000] =	vst v1  }
0x7b: {  	s24 =	simm.s32 $0x0;
	s25 =	simm.s32 $0x8400;
	[tilespmem:s23+$0x2200] =	vst v2  }
0x7c: {  	[tilespmem:s25], [sflag:$0x1] =	stream.indirect.gather [hbm4b:s5+s12], $0x1, s24, s12, $0xb8;
	[tilespmem:$0x8A00] =	vst v63  }
0x7d: {  	s23 =	simm.s32 $0x8600  }
0x7e: {  	[tilespmem:s23], [sflag:$0x1] =	stream.indirect.gather [hbm4b:s6+s12], $0x1, s12, s12, $0xb8;
	[tilespmem:$0x8A00] =	vst v63  }
0x7f: {  	s24 =	simm.s32 $0x400;
	s25 =	simm.s32 $0x4400  }
0x80: {  	[tilespmem:s25], [sflag:$0x1] =	stream.indirect.gather [hbm4b:s3+s12], $0x1, s24, s12, $0xb8;
	[tilespmem:$0x8A00] =	vst v63  }
0x81: {  	s24 =	simm.s32 $0x2400;
	s25 =	simm.s32 $0x6400  }
0x82: {  	[tilespmem:s25], [sflag:$0x1] =	stream.indirect.gather [hbm4b:s4+s12], $0x1, s24, s12, $0xb8;
	[tilespmem:$0x8A00] =	vst v63  }
0x83: {  	s24 =	simm.s32 $0x600;
	s25 =	simm.s32 $0x4600  }
0x84: {  	[tilespmem:s25], [sflag:$0x1] =	stream.indirect.gather [hbm4b:s3+s12], $0x1, s24, s12, $0xb8;
	[tilespmem:$0x8A00] =	vst v63  }
0x85: {  	s24 =	simm.s32 $0x2600;
	s25 =	simm.s32 $0x6600  }
0x86: {  	[tilespmem:s25], [sflag:$0x1] =	stream.indirect.gather [hbm4b:s4+s12], $0x1, s24, s12, $0xb8;
	[tilespmem:$0x8A00] =	vst v63  }
0x87: {  	s24 =	simm.s32 $0x800;
	s25 =	simm.s32 $0x4800  }
0x88: {  	[tilespmem:s25], [sflag:$0x1] =	stream.indirect.gather [hbm4b:s3+s12], $0x1, s24, s12, $0xb8;
	[tilespmem:$0x8A00] =	vst v63  }
0x89: {  	s24 =	simm.s32 $0x2800;
	s25 =	simm.s32 $0x6800  }
0x8a: {  	[tilespmem:s25], [sflag:$0x1] =	stream.indirect.gather [hbm4b:s4+s12], $0x1, s24, s12, $0xb8;
	[tilespmem:$0x8A00] =	vst v63  }
0x8b: {  	s24 =	simm.s32 $0xA00;
	s25 =	simm.s32 $0x4A00  }
0x8c: {  	[tilespmem:s25], [sflag:$0x1] =	stream.indirect.gather [hbm4b:s3+s12], $0x1, s24, s12, $0xb8;
	[tilespmem:$0x8A00] =	vst v63  }
0x8d: {  	s24 =	simm.s32 $0x2A00;
	s25 =	simm.s32 $0x6A00  }
0x8e: {  	[tilespmem:s25], [sflag:$0x1] =	stream.indirect.gather [hbm4b:s4+s12], $0x1, s24, s12, $0xb8;
	[tilespmem:$0x8A00] =	vst v63  }
0x8f: {  	s24 =	simm.s32 $0xC00;
	s25 =	simm.s32 $0x4C00  }
0x90: {  	[tilespmem:s25], [sflag:$0x1] =	stream.indirect.gather [hbm4b:s3+s12], $0x1, s24, s12, $0xb8;
	[tilespmem:$0x8A00] =	vst v63  }
0x91: {  	s24 =	simm.s32 $0x2C00;
	s25 =	simm.s32 $0x6C00  }
0x92: {  	[tilespmem:s25], [sflag:$0x1] =	stream.indirect.gather [hbm4b:s4+s12], $0x1, s24, s12, $0xb8;
	[tilespmem:$0x8A00] =	vst v63  }
0x93: {  	s24 =	simm.s32 $0xE00;
	s25 =	simm.s32 $0x4E00  }
0x94: {  	[tilespmem:s25], [sflag:$0x1] =	stream.indirect.gather [hbm4b:s3+s12], $0x1, s24, s12, $0xb8;
	[tilespmem:$0x8A00] =	vst v63  }
0x95: {  	s24 =	simm.s32 $0x2E00;
	s25 =	simm.s32 $0x6E00  }
0x96: {  	[tilespmem:s25], [sflag:$0x1] =	stream.indirect.gather [hbm4b:s4+s12], $0x1, s24, s12, $0xb8;
	[tilespmem:$0x8A00] =	vst v63  }
0x97: {  	s24 =	simm.s32 $0x1000;
	s25 =	simm.s32 $0x5000  }
0x98: {  	[tilespmem:s25], [sflag:$0x1] =	stream.indirect.gather [hbm4b:s3+s12], $0x1, s24, s12, $0xb8;
	[tilespmem:$0x8A00] =	vst v63  }
0x99: {  	s24 =	simm.s32 $0x3000;
	s25 =	simm.s32 $0x7000  }
0x9a: {  	[tilespmem:s25], [sflag:$0x1] =	stream.indirect.gather [hbm4b:s4+s12], $0x1, s24, s12, $0xb8;
	[tilespmem:$0x8A00] =	vst v63  }
0x9b: {  	s24 =	simm.s32 $0x1200;
	s25 =	simm.s32 $0x5200  }
0x9c: {  	[tilespmem:s25], [sflag:$0x1] =	stream.indirect.gather [hbm4b:s3+s12], $0x1, s24, s12, $0xb8;
	[tilespmem:$0x8A00] =	vst v63  }
0x9d: {  	s24 =	simm.s32 $0x3200;
	s25 =	simm.s32 $0x7200  }
0x9e: {  	[tilespmem:s25], [sflag:$0x1] =	stream.indirect.gather [hbm4b:s4+s12], $0x1, s24, s12, $0xb8;
	[tilespmem:$0x8A00] =	vst v63  }
0x9f: {  	s24 =	simm.s32 $0x1400;
	s25 =	simm.s32 $0x5400  }
0xa0: {  	[tilespmem:s25], [sflag:$0x1] =	stream.indirect.gather [hbm4b:s3+s12], $0x1, s24, s12, $0xb8;
	[tilespmem:$0x8A00] =	vst v63  }
0xa1: {  	s24 =	simm.s32 $0x3400;
	s25 =	simm.s32 $0x7400  }
0xa2: {  	[tilespmem:s25], [sflag:$0x1] =	stream.indirect.gather [hbm4b:s4+s12], $0x1, s24, s12, $0xb8;
	[tilespmem:$0x8A00] =	vst v63  }
0xa3: {  	s24 =	simm.s32 $0x1600;
	s25 =	simm.s32 $0x5600  }
0xa4: {  	[tilespmem:s25], [sflag:$0x1] =	stream.indirect.gather [hbm4b:s3+s12], $0x1, s24, s12, $0xb8;
	[tilespmem:$0x8A00] =	vst v63  }
0xa5: {  	s24 =	simm.s32 $0x3600;
	s25 =	simm.s32 $0x7600  }
0xa6: {  	[tilespmem:s25], [sflag:$0x1] =	stream.indirect.gather [hbm4b:s4+s12], $0x1, s24, s12, $0xb8;
	[tilespmem:$0x8A00] =	vst v63  }
0xa7: {  	s24 =	simm.s32 $0x1800;
	s25 =	simm.s32 $0x5800  }
0xa8: {  	[tilespmem:s25], [sflag:$0x1] =	stream.indirect.gather [hbm4b:s3+s12], $0x1, s24, s12, $0xb8;
	[tilespmem:$0x8A00] =	vst v63  }
0xa9: {  	s24 =	simm.s32 $0x3800;
	s25 =	simm.s32 $0x7800  }
0xaa: {  	[tilespmem:s25], [sflag:$0x1] =	stream.indirect.gather [hbm4b:s4+s12], $0x1, s24, s12, $0xb8;
	[tilespmem:$0x8A00] =	vst v63  }
0xab: {  	s24 =	simm.s32 $0x1A00;
	s25 =	simm.s32 $0x5A00  }
0xac: {  	[tilespmem:s25], [sflag:$0x1] =	stream.indirect.gather [hbm4b:s3+s12], $0x1, s24, s12, $0xb8;
	[tilespmem:$0x8A00] =	vst v63  }
0xad: {  	s24 =	simm.s32 $0x3A00;
	s25 =	simm.s32 $0x7A00  }
0xae: {  	[tilespmem:s25], [sflag:$0x1] =	stream.indirect.gather [hbm4b:s4+s12], $0x1, s24, s12, $0xb8;
	[tilespmem:$0x8A00] =	vst v63  }
0xaf: {  	s23 =	simm.s32 $0x1C00;
	s24 =	simm.s32 $0x5C00  }
0xb0: {  	[tilespmem:s24], [sflag:$0x1] =	stream.indirect.gather [hbm4b:s3+s12], $0x1, s23, s12, $0xb8;
	[tilespmem:$0x8A00] =	vst v63  }
0xb1: {  	s25 =	simm.s32 $0x3C00  }
0xb2: {  	[tilespmem:s26], [sflag:$0x1] =	stream.indirect.gather [hbm4b:s4+s12], $0x1, s25, s12, $0xb8;
	[tilespmem:$0x8A00] =	vst v63  }
0xb3: {  	_ = 	snop  }
0xb4: {  	[tilespmem:s29], [sflag:$0x1] =	stream.indirect.gather [hbm4b:s3+s12], $0x1, s28, s12, $0xb8;
	[tilespmem:$0x8A00] =	vst v63  }
0xb5: {  	_ = 	snop  }
0xb6: {  	[tilespmem:s31], [sflag:$0x1] =	stream.indirect.gather [hbm4b:s4+s12], $0x1, s30, s12, $0xb8;
	[tilespmem:$0x8A00] =	vst v63  }
0xb7: {  	_ = 	snop  }
0xb8: {  	[tilespmem:s2], [sflag:$0x1] =	stream.indirect.gather [hbm4b:s3+s12], $0x1, s0, s12, $0xb8;
	[tilespmem:$0x8A00] =	vst v63  }
0xb9: {  	_ = 	snop  }
0xba: {  	[tilespmem:s14], [sflag:$0x1] =	stream.indirect.gather [hbm4b:s4+s12], $0x1, s13, s12, $0xb8;
	[tilespmem:$0x8A00] =	vst v63  }
0xbb: {  	_ = 	snop  }
0xbc: {  	[tilespmem:s16], [sflag:$0x1] =	stream.indirect.gather [hbm4b:s3+s12], $0x1, s15, s12, $0xb8;
	[tilespmem:$0x8A00] =	vst v63  }
0xbd: {  	_ = 	snop  }
0xbe: {  	[tilespmem:s18], [sflag:$0x1] =	stream.indirect.gather [hbm4b:s4+s12], $0x1, s17, s12, $0xb8;
	[tilespmem:$0x8A00] =	vst v63  }
0xbf: {  	_ =	swait.ge [sflag:s19], $0x200  }
0xc0: {  	[sflag:s19] =	ssyncset.done $0x0  }
0xc1: {  	[sflag:s19] =	ssyncadd.s32 $0xFFFFFE00  }
0xc2: {  	_ =	swait.ge [sflag:s19], $0x200  }
0xc3: {  	[sflag:s19] =	ssyncset.done $0x0  }
0xc4: {  	[sflag:s19] =	ssyncadd.s32 $0xFFFFFE00  }
0xc5: {  	_ =	swait.ge [sflag:s19], $0x200  }
0xc6: {  	[sflag:s19] =	ssyncset.done $0x0  }
0xc7: {  	[sflag:s19] =	ssyncadd.s32 $0xFFFFFE00  }
0xc8: {  	_ =	swait.ge [sflag:s19], $0x200  }
0xc9: {  	[sflag:s19] =	ssyncset.done $0x0  }
0xca: {  	[sflag:s19] =	ssyncadd.s32 $0xFFFFFE00  }
0xcb: {  	_ =	swait.ge [sflag:s19], $0x200  }
0xcc: {  	[sflag:s19] =	ssyncset.done $0x0  }
0xcd: {  	[sflag:s19] =	ssyncadd.s32 $0xFFFFFE00  }
0xce: {  	_ =	swait.ge [sflag:s19], $0x200  }
0xcf: {  	[sflag:s19] =	ssyncset.done $0x0  }
0xd0: {  	[sflag:s19] =	ssyncadd.s32 $0xFFFFFE00  }
0xd1: {  	_ =	swait.ge [sflag:s19], $0x200  }
0xd2: {  	[sflag:s19] =	ssyncset.done $0x0  }
0xd3: {  	[sflag:s19] =	ssyncadd.s32 $0xFFFFFE00  }
0xd4: {  	_ =	swait.ge [sflag:s19], $0x200  }
0xd5: {  	[sflag:s19] =	ssyncset.done $0x0  }
0xd6: {  	[sflag:s19] =	ssyncadd.s32 $0xFFFFFE00  }
0xd7: {  	_ =	swait.ge [sflag:s19], $0x200  }
0xd8: {  	[sflag:s19] =	ssyncset.done $0x0  }
0xd9: {  	[sflag:s19] =	ssyncadd.s32 $0xFFFFFE00  }
0xda: {  	_ =	swait.ge [sflag:s19], $0x200  }
0xdb: {  	[sflag:s19] =	ssyncset.done $0x0  }
0xdc: {  	[sflag:s19] =	ssyncadd.s32 $0xFFFFFE00  }
0xdd: {  	_ =	swait.ge [sflag:s19], $0x200  }
0xde: {  	[sflag:s19] =	ssyncset.done $0x0  }
0xdf: {  	[sflag:s19] =	ssyncadd.s32 $0xFFFFFE00  }
0xe0: {  	_ =	swait.ge [sflag:s19], $0x200  }
0xe1: {  	[sflag:s19] =	ssyncset.done $0x0  }
0xe2: {  	[sflag:s19] =	ssyncadd.s32 $0xFFFFFE00  }
0xe3: {  	_ =	swait.ge [sflag:s19], $0x200  }
0xe4: {  	[sflag:s19] =	ssyncset.done $0x0  }
0xe5: {  	[sflag:s19] =	ssyncadd.s32 $0xFFFFFE00  }
0xe6: {  	_ =	swait.ge [sflag:s19], $0x200  }
0xe7: {  	[sflag:s19] =	ssyncset.done $0x0  }
0xe8: {  	[sflag:s19] =	ssyncadd.s32 $0xFFFFFE00  }
0xe9: {  	_ =	swait.ge [sflag:s19], $0x200  }
0xea: {  	[sflag:s19] =	ssyncset.done $0x0  }
0xeb: {  	[sflag:s19] =	ssyncadd.s32 $0xFFFFFE00  }
0xec: {  	_ =	swait.ge [sflag:s19], $0x200  }
0xed: {  	[sflag:s19] =	ssyncset.done $0x0  }
0xee: {  	[sflag:s19] =	ssyncadd.s32 $0xFFFFFE00  }
0xef: {  	_ =	swait.ge [sflag:s19], $0x200  }
0xf0: {  	[sflag:s19] =	ssyncset.done $0x0  }
0xf1: {  	[sflag:s19] =	ssyncadd.s32 $0xFFFFFE00  }
0xf2: {  	_ =	swait.ge [sflag:s19], $0x200  }
0xf3: {  	[sflag:s19] =	ssyncset.done $0x0  }
0xf4: {  	[sflag:s19] =	ssyncadd.s32 $0xFFFFFE00  }
0xf5: {  	_ =	swait.ge [sflag:s19], $0x200  }
0xf6: {  	[sflag:s19] =	ssyncset.done $0x0  }
0xf7: {  	[sflag:s19] =	ssyncadd.s32 $0xFFFFFE00  }
0xf8: {  	_ =	swait.ge [sflag:s19], $0x200  }
0xf9: {  	[sflag:s19] =	ssyncset.done $0x0  }
0xfa: {  	[sflag:s19] =	ssyncadd.s32 $0xFFFFFE00  }
0xfb: {  	_ =	swait.ge [sflag:s19], $0x200  }
0xfc: {  	[sflag:s19] =	ssyncset.done $0x0  }
0xfd: {  	[sflag:s19] =	ssyncadd.s32 $0xFFFFFE00  }
0xfe: {  	_ =	swait.ge [sflag:s19], $0x200  }
0xff: {  	[sflag:s19] =	ssyncset.done $0x0  }
0x100: {  	[sflag:s19] =	ssyncadd.s32 $0xFFFFFE00  }
0x101: {  	_ =	swait.ge [sflag:s19], $0x200  }
0x102: {  	[sflag:s19] =	ssyncset.done $0x0  }
0x103: {  	[sflag:s19] =	ssyncadd.s32 $0xFFFFFE00  }
0x104: {  	_ =	swait.ge [sflag:s19], $0x200  }
0x105: {  	[sflag:s19] =	ssyncset.done $0x0  }
0x106: {  	[sflag:s19] =	ssyncadd.s32 $0xFFFFFE00  }
0x107: {  	_ =	swait.ge [sflag:s19], $0x200  }
0x108: {  	[sflag:s19] =	ssyncset.done $0x0  }
0x109: {  	[sflag:s19] =	ssyncadd.s32 $0xFFFFFE00  }
0x10a: {  	_ =	swait.ge [sflag:s19], $0x200  }
0x10b: {  	[sflag:s19] =	ssyncset.done $0x0  }
0x10c: {  	[sflag:s19] =	ssyncadd.s32 $0xFFFFFE00  }
0x10d: {  	_ =	swait.ge [sflag:s19], $0x200  }
0x10e: {  	[sflag:s19] =	ssyncset.done $0x0  }
0x10f: {  	[sflag:s19] =	ssyncadd.s32 $0xFFFFFE00  }
0x110: {  	_ =	swait.ge [sflag:s19], $0x200  }
0x111: {  	[sflag:s19] =	ssyncset.done $0x0  }
0x112: {  	[sflag:s19] =	ssyncadd.s32 $0xFFFFFE00  }
0x113: {  	_ =	swait.ge [sflag:s19], $0x200  }
0x114: {  	[sflag:s19] =	ssyncset.done $0x0  }
0x115: {  	[sflag:s19] =	ssyncadd.s32 $0xFFFFFE00  }
0x116: {  	_ =	swait.ge [sflag:s19], $0x200  }
0x117: {  	[sflag:s19] =	ssyncset.done $0x0  }
0x118: {  	[sflag:s19] =	ssyncadd.s32 $0xFFFFFE00  }
0x119: {  	_ =	swait.ge [sflag:s19], $0x200  }
0x11a: {  	[sflag:s19] =	ssyncset.done $0x0  }
0x11b: {  	[sflag:s19] =	ssyncadd.s32 $0xFFFFFE00  }
0x11c: {  	_ =	swait.ge [sflag:s19], $0x200  }
0x11d: {  	[sflag:s19] =	ssyncset.done $0x0  }
0x11e: {  	[sflag:s19] =	ssyncadd.s32 $0xFFFFFE00  }
0x11f: {  	_ =	swait.ge [sflag:s19], $0x200  }
0x120: {  	[sflag:s19] =	ssyncset.done $0x0  }
0x121: {  	[sflag:s19] =	ssyncadd.s32 $0xFFFFFE00  }
0x122: {  	_ =	swait.ge [sflag:s19], $0x200  }
0x123: {  	[sflag:s19] =	ssyncset.done $0x0  }
0x124: {  	s23 =	simm.s32 $0x0;
	[sflag:s19] =	ssyncadd.s32 $0xFFFFFE00  }
0x125: {  	v0 =	vld [tilespmem:s23+$0x8400]  }
0x126: {  	v1 =	vld [tilespmem:s23+$0x8600]  }
0x127: {  	v2 =	vld [tilespmem:s23+$0x4400]  }
0x128: {  	v3 =	vld [tilespmem:s23+$0x6400]  }
0x129: {  	v4 =	vld [tilespmem:s23+$0x4600]  }
0x12a: {  	v5 =	vld [tilespmem:s23+$0x6600]  }
0x12b: {  	v6 =	vld [tilespmem:s23+$0x4800]  }
0x12c: {  	v7 =	vld [tilespmem:s23+$0x6800]  }
0x12d: {  	v0 =	vadd.f32 v1, v0;
	v1 =	vmul.f32 v3, v2;
	v2 =	vld [tilespmem:s23+$0x4A00]  }
0x12e: {  	v3 =	vld [tilespmem:s23+$0x6A00]  }
0x12f: {  	v0 =	vadd.f32 v1, v0;
	v1 =	vmul.f32 v5, v4;
	v4 =	vld [tilespmem:s23+$0x4C00]  }
0x130: {  	v5 =	vld [tilespmem:s23+$0x6C00]  }
0x131: {  	v0 =	vadd.f32 v1, v0;
	v1 =	vmul.f32 v7, v6;
	v6 =	vld [tilespmem:s23+$0x4E00]  }
0x132: {  	v7 =	vld [tilespmem:s23+$0x6E00]  }
0x133: {  	v0 =	vadd.f32 v1, v0;
	v1 =	vmul.f32 v3, v2;
	v2 =	vld [tilespmem:s23+$0x5000]  }
0x134: {  	v3 =	vld [tilespmem:s23+$0x7000]  }
0x135: {  	v0 =	vadd.f32 v1, v0;
	v1 =	vmul.f32 v5, v4;
	v4 =	vld [tilespmem:s23+$0x5200]  }
0x136: {  	v5 =	vld [tilespmem:s23+$0x7200]  }
0x137: {  	v0 =	vadd.f32 v1, v0;
	v1 =	vmul.f32 v7, v6;
	v6 =	vld [tilespmem:s23+$0x5400]  }
0x138: {  	v7 =	vld [tilespmem:s23+$0x7400]  }
0x139: {  	v0 =	vadd.f32 v1, v0;
	v1 =	vmul.f32 v3, v2;
	v2 =	vld [tilespmem:s23+$0x5600]  }
0x13a: {  	v3 =	vld [tilespmem:s23+$0x7600]  }
0x13b: {  	v0 =	vadd.f32 v1, v0;
	v1 =	vmul.f32 v5, v4;
	v4 =	vld [tilespmem:s23+$0x5800]  }
0x13c: {  	v5 =	vld [tilespmem:s23+$0x7800]  }
0x13d: {  	v0 =	vadd.f32 v1, v0;
	v1 =	vmul.f32 v7, v6;
	v6 =	vld [tilespmem:s23+$0x5A00]  }
0x13e: {  	v7 =	vld [tilespmem:s23+$0x7A00]  }
0x13f: {  	v0 =	vadd.f32 v1, v0;
	v1 =	vmul.f32 v3, v2;
	v2 =	vld [tilespmem:s23+$0x5C00]  }
0x140: {  	v3 =	vld [tilespmem:s23+$0x7C00]  }
0x141: {  	v0 =	vadd.f32 v1, v0;
	v1 =	vmul.f32 v5, v4;
	v4 =	vld [tilespmem:s23+$0x5E00]  }
0x142: {  	v5 =	vld [tilespmem:s23+$0x7E00]  }
0x143: {  	v0 =	vadd.f32 v1, v0;
	v1 =	vmul.f32 v7, v6;
	v6 =	vld [tilespmem:s23+$0x6000]  }
0x144: {  	v7 =	vld [tilespmem:s23+$0x8000]  }
0x145: {  	v0 =	vadd.f32 v1, v0;
	v1 =	vmul.f32 v3, v2;
	v2 =	vld [tilespmem:s23+$0x6200]  }
0x146: {  	s22 =	simm.s32 $0x10;
	v3 =	vld [tilespmem:s23+$0x8200]  }
0x147: {  	v8 =	vld [tilespmem:s22+$0x8400];
	v0 =	vadd.f32 v1, v0;
	v1 =	vmul.f32 v5, v4  }
0x148: {  	v4 =	vld [tilespmem:s22+$0x8600]  }
0x149: {  	v5 =	vld [tilespmem:s22+$0x4400];
	v0 =	vadd.f32 v1, v0;
	v1 =	vmul.f32 v7, v6  }
0x14a: {  	v6 =	vld [tilespmem:s22+$0x6400]  }
0x14b: {  	v7 =	vld [tilespmem:s22+$0x4600];
	v0 =	vadd.f32 v1, v0;
	v1 =	vmul.f32 v3, v2  }
0x14c: {  	v2 =	vld [tilespmem:s22+$0x6600]  }
0x14d: {  	v3 =	vld [tilespmem:s22+$0x4800];
	v0 =	vadd.f32 v1, v0  }
0x14e: {  	v1 =	vld [tilespmem:s22+$0x6800]  }
0x14f: {  	v4 =	vadd.f32 v4, v8;
	v8 =	vld [tilespmem:s22+$0x6A00];
	v5 =	vmul.f32 v6, v5;
	v0 =	vsub.f32 $0.0e+00, v0  }
0x150: {  	v6 =	vld [tilespmem:s22+$0x4A00]  }
0x151: {  	v4 =	vadd.f32 v5, v4;
	v2 =	vmul.f32 v2, v7;
	v5 =	vld [tilespmem:s22+$0x4C00];
	v0 =	vmul.f32 $1.442695020e+00, v0  }
0x152: {  	v7 =	vld [tilespmem:s22+$0x6C00]  }
0x153: {  	v2 =	vadd.f32 v2, v4;
	v1 =	vmul.f32 v1, v3;
	v3 =	vld [tilespmem:s22+$0x4E00];
	(erf) = vpow2.f32 v0  }
0x154: {  	v0 =	vld [tilespmem:s22+$0x6E00]  }
0x155: {  	v4 =	vld [tilespmem:s22+$0x5000];
	v1 =	vadd.f32 v1, v2;
	v2 =	vmul.f32 v8, v6  }
0x156: {  	v6 =	vld [tilespmem:s22+$0x7000]  }
0x157: {  	v1 =	vadd.f32 v2, v1;
	v2 =	vmul.f32 v7, v5;
	v5 =	vld [tilespmem:s22+$0x5200]  }
0x158: {  	v7 =	vld [tilespmem:s22+$0x7200]  }
0x159: {  	v1 =	vadd.f32 v2, v1;
	v0 =	vmul.f32 v0, v3;
	v2 =	vld [tilespmem:s22+$0x5400]  }
0x15a: {  	v3 =	vld [tilespmem:s22+$0x7400]  }
0x15b: {  	v0 =	vadd.f32 v0, v1;
	v1 =	vmul.f32 v6, v4;
	v4 =	vld [tilespmem:s22+$0x5600]  }
0x15c: {  	v6 =	vld [tilespmem:s22+$0x7600];
	v8 =	vpop (erf)  }
0x15d: {  	v0 =	vadd.f32 v1, v0;
	v1 =	vmul.f32 v7, v5;
	v5 =	vld [tilespmem:s22+$0x5800];
	v7 =	vadd.f32 $1.000000000e+00, v8  }
0x15e: {  	v8 =	vld [tilespmem:s22+$0x7800]  }
0x15f: {  	v0 =	vadd.f32 v1, v0;
	v1 =	vmul.f32 v3, v2;
	v2 =	vld [tilespmem:s22+$0x5A00];
	(erf) = vrcp.f32 v7  }
0x160: {  	v3 =	vld [tilespmem:s22+$0x7A00]  }
0x161: {  	v0 =	vadd.f32 v1, v0;
	v1 =	vmul.f32 v6, v4;
	v4 =	vld [tilespmem:s22+$0x5C00]  }
0x162: {  	v6 =	vld [tilespmem:s22+$0x7C00]  }
0x163: {  	v7 =	vld [tilespmem:s22+$0x7E00];
	v0 =	vadd.f32 v1, v0;
	v1 =	vmul.f32 v8, v5  }
0x164: {  	v5 =	vld [tilespmem:s22+$0x5E00]  }
0x165: {  	v8 =	vld [tilespmem:s22+$0x8000];
	v0 =	vadd.f32 v1, v0;
	v1 =	vmul.f32 v3, v2  }
0x166: {  	v3 =	vld [tilespmem:s22+$0x6000]  }
0x167: {  	v6 =	vmul.f32 v6, v4;
	v2 =	vadd.f32 v1, v0;
	v0 =	vld [tilespmem:s22+$0x6200]  }
0x168: {  	s24 =	simm.s32 $0x20;
	v1 =	vld [tilespmem:s22+$0x8200];
	v9 =	vpop (erf)  }
0x169: {  	v4 =	vld [tilespmem:s24+$0x8400];
	v7 =	vmul.f32 v7, v5;
	v2 =	vadd.f32 v6, v2;
	v9 =	vmul.f32 $1.010000040e+01, v9  }
0x16a: {  	v5 =	vld [tilespmem:s24+$0x8600]  }
0x16b: {  	s25 =	simm.s32 $0xC0;
	v6 =	vld [tilespmem:s24+$0x4400];
	v3 =	vmul.f32 v8, v3;
	v2 =	vadd.f32 v7, v2;
	v7 =	vadd.f32 $0.0e+00, v9  }
.LBB2_4:
0x16c: {  	p0 =	sne.s32 s25, $0x7C0;
	v8 =	vld [tilespmem:s24+$0x6400]  }
0x16d: {  	v9 =	vld [tilespmem:s24+$0x4600];
	v2 =	vadd.f32 v3, v2;
	v0 =	vmul.f32 v1, v0;
	[tilespmem:s23+$0x8800] =	vst v7;
	s23 =	smov.u32 s22;
	s22 =	smov.u32 s24  }
0x16e: {  	v1 =	vld [tilespmem:s22+$0x6600]  }
0x16f: {  	v3 =	vld [tilespmem:s22+$0x4800];
	v0 =	vadd.f32 v0, v2  }
0x170: {  	v2 =	vld [tilespmem:s22+$0x6800]  }
0x171: {  	v4 =	vadd.f32 v5, v4;
	v5 =	vmul.f32 v8, v6;
	v6 =	vld [tilespmem:s22+$0x4A00];
	v0 =	vsub.f32 $0.0e+00, v0  }
0x172: {  	v7 =	vld [tilespmem:s22+$0x6A00]  }
0x173: {  	v4 =	vadd.f32 v5, v4;
	v1 =	vmul.f32 v1, v9;
	v5 =	vld [tilespmem:s22+$0x4C00];
	v0 =	vmul.f32 $1.442695020e+00, v0  }
0x174: {  	v8 =	vld [tilespmem:s22+$0x6C00]  }
0x175: {  	v1 =	vadd.f32 v1, v4;
	v2 =	vmul.f32 v2, v3;
	v3 =	vld [tilespmem:s22+$0x4E00];
	(erf) = vpow2.f32 v0  }
0x176: {  	v0 =	vld [tilespmem:s22+$0x6E00]  }
0x177: {  	v1 =	vadd.f32 v2, v1;
	v2 =	vmul.f32 v7, v6;
	v4 =	vld [tilespmem:s22+$0x5000]  }
0x178: {  	v6 =	vld [tilespmem:s22+$0x7000]  }
0x179: {  	v1 =	vadd.f32 v2, v1;
	v2 =	vmul.f32 v8, v5;
	v5 =	vld [tilespmem:s22+$0x5200]  }
0x17a: {  	v7 =	vld [tilespmem:s22+$0x7200]  }
0x17b: {  	v1 =	vadd.f32 v2, v1;
	v0 =	vmul.f32 v0, v3;
	v2 =	vld [tilespmem:s22+$0x5400]  }
0x17c: {  	v3 =	vld [tilespmem:s22+$0x7400]  }
0x17d: {  	v0 =	vadd.f32 v0, v1;
	v1 =	vmul.f32 v6, v4;
	v4 =	vld [tilespmem:s22+$0x5600]  }
0x17e: {  	v6 =	vld [tilespmem:s22+$0x7600];
	v8 =	vpop (erf)  }
0x17f: {  	v0 =	vadd.f32 v1, v0;
	v1 =	vmul.f32 v7, v5;
	v5 =	vld [tilespmem:s22+$0x5800];
	v7 =	vadd.f32 $1.000000000e+00, v8  }
0x180: {  	v8 =	vld [tilespmem:s22+$0x7800]  }
0x181: {  	v0 =	vadd.f32 v1, v0;
	v1 =	vmul.f32 v3, v2;
	v2 =	vld [tilespmem:s22+$0x5A00];
	(erf) = vrcp.f32 v7  }
0x182: {  	v3 =	vld [tilespmem:s22+$0x7A00]  }
0x183: {  	v0 =	vadd.f32 v1, v0;
	v1 =	vmul.f32 v6, v4;
	v4 =	vld [tilespmem:s22+$0x5C00]  }
0x184: {  	v6 =	vld [tilespmem:s22+$0x7C00]  }
0x185: {  	v0 =	vadd.f32 v1, v0;
	v1 =	vmul.f32 v8, v5;
	v5 =	vld [tilespmem:s22+$0x5E00]  }
0x186: {  	v7 =	vld [tilespmem:s22+$0x7E00]  }
0x187: {  	v0 =	vadd.f32 v1, v0;
	v1 =	vmul.f32 v3, v2;
	v3 =	vld [tilespmem:s22+$0x6000]  }
0x188: {  	v8 =	vld [tilespmem:s22+$0x8000]  }
.Ltmp1:
0x189: {  	v2 =	vadd.f32 v1, v0;
	v6 =	vmul.f32 v6, v4;
	v0 =	vld [tilespmem:s22+$0x6200];
	(pc) =	sbr.rel @p0 .LBB2_4-.Ltmp1, $4  }
0x18a: {  	s24 =	sshra.s32 s25, $0x2;
	v1 =	vld [tilespmem:s22+$0x8200];
	v9 =	vpop (erf)  }
0x18b: {  	v4 =	vld [tilespmem:s24+$0x8400];
	v2 =	vadd.f32 v6, v2;
	v7 =	vmul.f32 v7, v5;
	v9 =	vmul.f32 $1.010000040e+01, v9  }
0x18c: {  	v5 =	vld [tilespmem:s24+$0x8600]  }
0x18d: {  	s25 =	sadd.s32 $0x40, s25;
	v6 =	vld [tilespmem:s24+$0x4400];
	v2 =	vadd.f32 v7, v2;
	v3 =	vmul.f32 v8, v3;
	v7 =	vadd.f32 $0.0e+00, v9  }
0x18e: {  	v8 =	vld [tilespmem:s24+$0x6400]  }
0x18f: {  	v9 =	vld [tilespmem:s24+$0x4600];
	[tilespmem:s23+$0x8800] =	vst v7  }
0x190: {  	v7 =	vld [tilespmem:s24+$0x6600]  }
0x191: {  	v10 =	vld [tilespmem:s24+$0x4800]  }
0x192: {  	v11 =	vld [tilespmem:s24+$0x6800]  }
0x193: {  	v22 =	vld [tilespmem:s24+$0x4A00];
	v4 =	vadd.f32 v5, v4;
	v21 =	vmul.f32 v8, v6  }
0x194: {  	v23 =	vld [tilespmem:s24+$0x6A00]  }
0x195: {  	v25 =	vld [tilespmem:s24+$0x4C00];
	v4 =	vadd.f32 v21, v4;
	v24 =	vmul.f32 v7, v9  }
0x196: {  	v26 =	vld [tilespmem:s24+$0x6C00]  }
0x197: {  	v28 =	vld [tilespmem:s24+$0x4E00];
	v27 =	vmul.f32 v11, v10;
	v4 =	vadd.f32 v24, v4  }
0x198: {  	v29 =	vld [tilespmem:s24+$0x6E00]  }
0x199: {  	v31 =	vld [tilespmem:s24+$0x5000];
	v30 =	vmul.f32 v23, v22;
	v4 =	vadd.f32 v27, v4  }
0x19a: {  	v32 =	vld [tilespmem:s24+$0x7000]  }
0x19b: {  	v34 =	vld [tilespmem:s24+$0x5200];
	v33 =	vmul.f32 v26, v25;
	v4 =	vadd.f32 v30, v4  }
0x19c: {  	v35 =	vld [tilespmem:s24+$0x7200]  }
0x19d: {  	v37 =	vld [tilespmem:s24+$0x5400];
	v36 =	vmul.f32 v29, v28;
	v4 =	vadd.f32 v33, v4  }
0x19e: {  	v38 =	vld [tilespmem:s24+$0x7400]  }
0x19f: {  	v40 =	vld [tilespmem:s24+$0x5600];
	v39 =	vmul.f32 v32, v31;
	v4 =	vadd.f32 v36, v4  }
0x1a0: {  	v41 =	vld [tilespmem:s24+$0x7600]  }
0x1a1: {  	v43 =	vld [tilespmem:s24+$0x5800];
	v42 =	vmul.f32 v35, v34;
	v4 =	vadd.f32 v39, v4  }
0x1a2: {  	v44 =	vld [tilespmem:s24+$0x7800]  }
0x1a3: {  	v46 =	vld [tilespmem:s24+$0x5A00];
	v45 =	vmul.f32 v38, v37;
	v4 =	vadd.f32 v42, v4  }
0x1a4: {  	v2 =	vadd.f32 v3, v2;
	v0 =	vmul.f32 v1, v0;
	v47 =	vld [tilespmem:s24+$0x7A00]  }
0x1a5: {  	v50 =	vld [tilespmem:s24+$0x5C00];
	v49 =	vmul.f32 v41, v40;
	v48 =	vadd.f32 v45, v4  }
0x1a6: {  	v51 =	vld [tilespmem:s24+$0x7C00];
	v0 =	vadd.f32 v0, v2  }
0x1a7: {  	v53 =	vld [tilespmem:s24+$0x5E00];
	v52 =	vmul.f32 v44, v43;
	v3 =	vadd.f32 v49, v48  }
0x1a8: {  	v54 =	vld [tilespmem:s24+$0x7E00];
	v0 =	vsub.f32 $0.0e+00, v0  }
0x1a9: {  	v55 =	vld [tilespmem:s24+$0x6000];
	v1 =	vmul.f32 v47, v46;
	v3 =	vadd.f32 v52, v3  }
0x1aa: {  	v56 =	vld [tilespmem:s24+$0x8000];
	v0 =	vmul.f32 $1.442695020e+00, v0  }
0x1ab: {  	v57 =	vld [tilespmem:s24+$0x6200];
	v2 =	vmul.f32 v51, v50;
	v1 =	vadd.f32 v1, v3  }
0x1ac: {  	v58 =	vld [tilespmem:s24+$0x8200];
	(erf) = vpow2.f32 v0  }
0x1ad: {  	v59 =	vmul.f32 v54, v53;
	v1 =	vadd.f32 v2, v1;
	_ =	sdelay $0x1  }
0x1ae: {  	v60 =	vmul.f32 v56, v55;
	v1 =	vadd.f32 v59, v1;
	_ =	sdelay $0x1  }
0x1af: {  	v0 =	vmul.f32 v58, v57;
	v1 =	vadd.f32 v60, v1;
	_ =	sdelay $0x1  }
0x1b0: {  	v0 =	vadd.f32 v0, v1;
	_ =	sdelay $0x1  }
0x1b1: {  	v61 =	vpop (erf);
	v0 =	vsub.f32 $0.0e+00, v0  }
0x1b2: {  	v1 =	vadd.f32 $1.000000000e+00, v61  }
0x1b3: {  	v0 =	vmul.f32 $1.442695020e+00, v0  }
0x1b4: {  	(erf) = vrcp.f32 v1  }
0x1b5: {  	(erf) = vpow2.f32 v0;
	_ =	sdelay $0x7  }
0x1b6: {  	v62 =	vpop (erf)  }
0x1b7: {  	v63 =	vpop (erf)  }
0x1b8: {  	v1 =	vadd.f32 $1.000000000e+00, v63;
	_ =	sdelay $0x1  }
0x1b9: {  	(erf) = vrcp.f32 v1;
	_ =	sdelay $0x8  }
0x1ba: {  	v0 =	vmul.f32 $1.010000040e+01, v62;
	v1 =	vpop (erf)  }
0x1bb: {  	v1 =	vmul.f32 $1.010000040e+01, v1  }
0x1bc: {  	v0 =	vadd.f32 $0.0e+00, v0  }
0x1bd: {  	s21 =	sadd.s32 $0x1, s21;
	v1 =	vadd.f32 $0.0e+00, v1  }
0x1be: {  	p0 =	sne.s32 s21, s10;
	[tilespmem:s22+$0x8800] =	vst v0  }
.Ltmp2:
0x1bf: {  	[tilespmem:s24+$0x8800] =	vst v1;
	(pc) =	sbr.rel @p0 .LBB2_1-.Ltmp2, $4  }
0x1c0: {  	[hbm4b:s9+s1] =	stream.linear.scatter [tilespmem:s20], [sflag:$0x2], $0x200, $0x38;
	[tilespmem:$0x8A00] =	vst v63  }
0x1c1: {  	_ =	swait.ge [sflag:s11], $0x200  }
0x1c2: {  	[sflag:s11] =	ssyncset.done $0x0  }
0x1c3: {  	[sflag:s11] =	ssyncadd.s32 $0xFFFFFE00  }
0x1c4: {  	_ =	sfence.sel $0x180000  }
0x1c5: {  	[bflag:$0x0] =	sbarrier.arrive $0xFFFF  }
0x1c6: {  	_ =	strace $0x90000047  }
0x1c7: {  	s0 =	stileid.u32;
	[bflag:$0x2] =	sbarrier.arrive $0xFFFF  }
0x1c8: {  	p0 =	sne.s32 s0, $0x0;
	s0 =	rddreg [dreg:$0x2]  }
0x1c9: {  	s0 =	sadd.s32 @!p0 $0x100000, s0  }
0x1ca: {  	[sflag:s0] =	ssyncadd.tile.s32 @!p0 $0x1;
	_ =	shalt  }
.Lfunc_end2:
_tile_overlayer_lowered:
.L_overlay_start_2:
0x1cb: {  	(tag) =	ssettag $0x2  }
0x1cc: {  	s0 =	rddreg [dreg:$0x0];
	s2 =	stileid.u32  }
0x1cd: {  	s1 =	rddreg [dreg:$0x1];
	p0 =	sne.s32 s2, $0x0  }
0x1ce: {  	s3 =	rddreg [dreg:$0x2];
	[bflag:$0x3] =	sbarrier.arrive $0xFFFF;
	s2 =	simm.s32 @!p0 $0x1C02  }
0x1cf: {  	[timem:s3], [sflag:s2] =	dma.local @!p0 [hbm:s0], s1  }
0x1d0: {  	s0 =	simm.s32 @!p0 $0x2  }
0x1d1: {  	_ =	swait.ge @!p0 [sflag:s0], s1  }
0x1d2: {  	s1 =	ssub.s32 @!p0 $0x0, s1;
	[sflag:s0] =	ssyncset.done @!p0 $0x0  }
0x1d3: {  	[sflag:s0] =	ssyncadd.s32 @!p0 s1  }
0x1d4: {  	[bflag:$0x3] =	sbarrier.arrive $0xFFFF  }
0x1d5: {  	_ =	shalt  }

</sc_bundles>
